<compile_context>
chip_gen: v7x
topology: tpu7x:2x2x1
jax: 0.10.2.dev20260603
libtpu: 0.0.44.dev20260713+nightly
codegen_flags: <defaults>
</compile_context>

<pallas_src>
import jax
import jax.numpy as jnp
from jax import lax
from jax.experimental import pallas as pl
from jax.experimental.pallas import tpu as pltpu
from jax.experimental.pallas import tpu_sc as plsc

N = 10000
NP = 10240
D = 128
DH = D // 2
E = 320000
NC, NS = 2, 16
EPT = E // NS
MB = 80
NIT = EPT // MB
RPT = NP // NS
RCH = 320


NBUF = 6


def _sc_agg_body(x0_hbm, x1_hbm, src_hbm, dst_hbm, out_hbm, src_all, dst_all,
                 rows, sems, acc_sh, isem):
    c = lax.axis_index("c")
    s = lax.axis_index("s")

    idx_cp_s = pltpu.async_copy(src_hbm.at[s], src_all, isem)
    idx_cp_d = pltpu.async_copy(dst_hbm.at[s], dst_all, isem)

    zvec = jnp.zeros((16,), jnp.float32)

    def zrow(r, carry):
        for j in range(DH // 16):
            rows[0][r, pl.ds(j * 16, 16)] = zvec
        return carry

    lax.fori_loop(0, MB, zrow, None)
    for k in range(RPT // MB):
        pltpu.sync_copy(rows[0], acc_sh.at[pl.ds(s * RPT + k * MB, MB)])
    idx_cp_s.wait()
    idx_cp_d.wait()
    plsc.subcore_barrier()

    def gather(j, lane):
        @pl.when(c == 0)
        def _():
            pltpu.async_copy(x0_hbm.at[src_all.at[j], :], rows[lane], sems[lane])

        @pl.when(c == 1)
        def _():
            pltpu.async_copy(x1_hbm.at[src_all.at[j], :], rows[lane], sems[lane])

    def bwait(lane):
        pltpu.make_async_copy(x0_hbm.at[src_all.at[0], :], rows[lane],
                              sems[lane]).wait()

    def scat(j, lane):
        pltpu.async_copy(rows[lane], acc_sh.at[dst_all.at[j], :], sems[lane],
                         add=True)

    for lane in range(NBUF):
        gather(lane, lane)

    def step4(k, carry):
        j0 = NBUF * k
        for lane in range(NBUF):
            bwait(lane)
            scat(j0 + lane, lane)
        for lane in range(NBUF):
            bwait(lane)

            @pl.when(j0 + NBUF + lane < NIT)
            def _():
                gather(j0 + NBUF + lane, lane)

        return carry

    lax.fori_loop(0, NIT // NBUF, step4, None)
    for lane in range(NIT % NBUF):
        j = (NIT // NBUF) * NBUF + lane
        bwait(lane)
        scat(j, lane)
        bwait(lane)
    plsc.subcore_barrier()

    for k in range(RPT // RCH):
        r0 = s * RPT + k * RCH
        pltpu.sync_copy(acc_sh.at[pl.ds(r0, RCH)], out_hbm.at[c, pl.ds(r0, RCH)])


@jax.jit
def _sc_aggregate(x0, x1, src, dst):
    mesh = plsc.VectorSubcoreMesh(core_axis_name="c", subcore_axis_name="s")
    return pl.kernel(
        _sc_agg_body,
        out_type=jax.ShapeDtypeStruct((NC, NP, DH), jnp.float32),
        mesh=mesh,
        scratch_types=[
            pltpu.VMEM((NIT, MB), jnp.int32),
            pltpu.VMEM((NIT, MB), jnp.int32),
            [pltpu.VMEM((MB, DH), jnp.float32) for _ in range(NBUF)],
            [pltpu.SemaphoreType.DMA for _ in range(NBUF)],
            pltpu.VMEM_SHARED((NP, DH), jnp.float32),
            pltpu.SemaphoreType.DMA,
        ],
        compiler_params=pltpu.CompilerParams(use_tc_tiling_on_sc=False),
    )(x0, x1, src, dst)


def _mm_body(acc_ref, w_ref, b_ref, o_ref):
    a = jnp.concatenate([acc_ref[0], acc_ref[1]], axis=-1)
    o_ref[...] = (
        jnp.dot(a, w_ref[...], preferred_element_type=jnp.float32) + b_ref[...]
    )


BM = 400


@jax.jit
def _transform(acc2, W, b):
    return pl.pallas_call(
        _mm_body,
        grid=(N // BM,),
        in_specs=[
            pl.BlockSpec((2, BM, DH), lambda i: (0, i, 0)),
            pl.BlockSpec((D, D), lambda i: (0, 0)),
            pl.BlockSpec((1, D), lambda i: (0, 0)),
        ],
        out_specs=pl.BlockSpec((BM, D), lambda i: (i, 0)),
        out_shape=jax.ShapeDtypeStruct((N, D), jnp.float32),
    )(acc2, W, b)


def kernel(input_features, edge_index, W, b):
    x0 = input_features[:, :DH]
    x1 = input_features[:, DH:]
    src = edge_index[0].reshape(NS, NIT, MB)
    dst = edge_index[1].reshape(NS, NIT, MB)
    acc2 = _sc_aggregate(x0, x1, src, dst)
    return _transform(acc2, W, b.reshape(1, D))

# --- scband reference (transcript-rebuilt; emitter-appended) ---
"""Pipeline reference for scband-gcnconv-dgl-11682311045155 (READ-ONLY COPY).

The authoritative reference and input builder live on the scoring server;
editing this copy changes nothing except your own understanding.
"""

import jax, jax.numpy as jnp
import numpy as np

N_NODES = 10000
N_EDGES = 320000
D_IN = 128
D_OUT = 128


def setup_inputs(seed: int = 0) -> dict:
    key = jax.random.key(seed)
    k1, k2, k3, k4 = jax.random.split(key, 4)
    input_features = jax.random.normal(k1, (N_NODES, D_IN), dtype=jnp.float32)
    edge_index = jax.random.randint(k2, (2, N_EDGES), 0, N_NODES, dtype=jnp.int32)
    # Learned params of DGL GraphConv(weight=True, bias=True)
    W = jax.random.normal(k3, (D_IN, D_OUT), dtype=jnp.float32) * (1.0 / np.sqrt(D_IN))
    b = jnp.zeros((D_OUT,), dtype=jnp.float32)
    return {"input_features": input_features, "edge_index": edge_index, "W": W, "b": b}


def reference(input_features, edge_index, W, b):
    # DGL GraphConv with norm='none': rst_i = sum_{(j->i) in E} (x_j @ W) + b
    h = input_features @ W                      # dense transform
    src = edge_index[0]
    dst = edge_index[1]
    msg = jnp.take(h, src, axis=0)              # gather source features (memory-bound)
    out = jax.ops.segment_sum(msg, dst, num_segments=N_NODES)  # scatter-add by dst
    return out + b

if __name__ == "__main__":
    import jax
    _d = setup_inputs()
    print(jax.jit(kernel)(*tuple(_d.values())))

</pallas_src>

<mosaic_0001>
#map = affine_map<(d0, d1) -> (0, 0)>
#map1 = affine_map<(d0, d1) -> (0, 0, 0)>
module attributes {stable_mosaic.version = 14 : i64} {
  func.func @_sc_agg_body(%arg0: i32, %arg1: i32, %arg2: memref<10000x64xf32, #tpu.memory_space<hbm>>, %arg3: memref<10000x64xf32, #tpu.memory_space<hbm>>, %arg4: memref<16x250x80xi32, #tpu.memory_space<hbm>>, %arg5: memref<16x250x80xi32, #tpu.memory_space<hbm>>, %arg6: memref<2x10240x64xf32, #tpu.memory_space<hbm>>, %arg7: memref<250x80xi32, #tpu.memory_space<vmem>>, %arg8: memref<250x80xi32, #tpu.memory_space<vmem>>, %arg9: memref<80x64xf32, #tpu.memory_space<vmem>>, %arg10: memref<80x64xf32, #tpu.memory_space<vmem>>, %arg11: memref<80x64xf32, #tpu.memory_space<vmem>>, %arg12: memref<80x64xf32, #tpu.memory_space<vmem>>, %arg13: memref<80x64xf32, #tpu.memory_space<vmem>>, %arg14: memref<80x64xf32, #tpu.memory_space<vmem>>, %arg15: memref<!tpu.dma_semaphore, #tpu.memory_space<semaphore_mem>>, %arg16: memref<!tpu.dma_semaphore, #tpu.memory_space<semaphore_mem>>, %arg17: memref<!tpu.dma_semaphore, #tpu.memory_space<semaphore_mem>>, %arg18: memref<!tpu.dma_semaphore, #tpu.memory_space<semaphore_mem>>, %arg19: memref<!tpu.dma_semaphore, #tpu.memory_space<semaphore_mem>>, %arg20: memref<!tpu.dma_semaphore, #tpu.memory_space<semaphore_mem>>, %arg21: memref<10240x64xf32, #tpu.memory_space<vmem_shared>>, %arg22: memref<!tpu.dma_semaphore, #tpu.memory_space<semaphore_mem>>) attributes {dimension_semantics = [#tpu.dimension_semantics<core_parallel>, #tpu.dimension_semantics<subcore_parallel>], iteration_bounds = array<i64: 2, 16>, scalar_prefetch = 0 : i64, scratch_operands = 16 : i64, tpu.core_type = #tpu.core_type<sc_vector_subcore>, window_params = [{transform_indices = #map}, {transform_indices = #map}, {transform_indices = #map1}, {transform_indices = #map1}, {transform_indices = #map1}]} {
    %dma_start3A = arith.constant 0 : i32
    %dma_start3A_0 = arith.constant 0 : i32
    %dma_start3A_1 = tpu.memref_slice %arg4[%arg1, %dma_start3A, %dma_start3A_0] : memref<16x250x80xi32, #tpu.memory_space<hbm>> -> memref<1x250x80xi32, #tpu.memory_space<hbm>>
    %dma_start3A_2 = tpu.memref_squeeze %dma_start3A_1 : memref<1x250x80xi32, #tpu.memory_space<hbm>> -> memref<250x80xi32, #tpu.memory_space<hbm>>
    %dma_start3A_3 = arith.constant 0 : i32
    %dma_start3A_4 = arith.constant 0 : i32
    %dma_start3A_5 = tpu.memref_slice %arg4[%arg1, %dma_start3A_3, %dma_start3A_4] : memref<16x250x80xi32, #tpu.memory_space<hbm>> -> memref<1x250x80xi32, #tpu.memory_space<hbm>>
    %dma_start3A_6 = tpu.memref_squeeze %dma_start3A_5 : memref<1x250x80xi32, #tpu.memory_space<hbm>> -> memref<250x80xi32, #tpu.memory_space<hbm>>
    tpu.enqueue_dma source(%dma_start3A_6 : memref<250x80xi32, #tpu.memory_space<hbm>>) target(%arg7 : memref<250x80xi32, #tpu.memory_space<vmem>>) target_semaphore(%arg22 : memref<!tpu.dma_semaphore, #tpu.memory_space<semaphore_mem>>)
    %dma_start3A_7 = arith.constant 0 : i32
    %dma_start3A_8 = arith.constant 0 : i32
    %dma_start3A_9 = tpu.memref_slice %arg5[%arg1, %dma_start3A_7, %dma_start3A_8] : memref<16x250x80xi32, #tpu.memory_space<hbm>> -> memref<1x250x80xi32, #tpu.memory_space<hbm>>
    %dma_start3A_10 = tpu.memref_squeeze %dma_start3A_9 : memref<1x250x80xi32, #tpu.memory_space<hbm>> -> memref<250x80xi32, #tpu.memory_space<hbm>>
    %dma_start3A_11 = arith.constant 0 : i32
    %dma_start3A_12 = arith.constant 0 : i32
    %dma_start3A_13 = tpu.memref_slice %arg5[%arg1, %dma_start3A_11, %dma_start3A_12] : memref<16x250x80xi32, #tpu.memory_space<hbm>> -> memref<1x250x80xi32, #tpu.memory_space<hbm>>
    %dma_start3A_14 = tpu.memref_squeeze %dma_start3A_13 : memref<1x250x80xi32, #tpu.memory_space<hbm>> -> memref<250x80xi32, #tpu.memory_space<hbm>>
    tpu.enqueue_dma source(%dma_start3A_14 : memref<250x80xi32, #tpu.memory_space<hbm>>) target(%arg8 : memref<250x80xi32, #tpu.memory_space<vmem>>) target_semaphore(%arg22 : memref<!tpu.dma_semaphore, #tpu.memory_space<semaphore_mem>>)
    %broadcast_in_dim3A = arith.constant 0.000000e+00 : f32
    %broadcast_in_dim3A_15 = vector.broadcast %broadcast_in_dim3A : f32 to vector<16xf32>
    %scan3A = arith.constant 0 : i32
    %scan3A_16 = arith.constant 80 : i32
    %scan3A_17 = arith.addi %scan3A, %scan3A_16 : i32
    %scan3A_18 = arith.constant 1 : i32
    scf.for %scan3A_220 = %scan3A to %scan3A_17 step %scan3A_18  : i32 {
      %swap3A = arith.index_cast %scan3A_220 : i32 to index
      %swap3A_221 = arith.constant 0 : index
      %swap3A_222 = tpu.vector_load %arg9[%swap3A, %swap3A_221] {strides = array<i32>} : memref<80x64xf32, #tpu.memory_space<vmem>>, vector<1x16xf32>,
      %swap3A_223 = vector.shape_cast %swap3A_222 : vector<1x16xf32> to vector<16xf32>
      %swap3A_224 = vector.shape_cast %broadcast_in_dim3A_15 : vector<16xf32> to vector<1x16xf32>
      tpu.vector_store %arg9[%swap3A, %swap3A_221], %swap3A_224 {strides = array<i32>} : memref<80x64xf32, #tpu.memory_space<vmem>>, vector<1x16xf32>,
      %swap3A_225 = arith.index_cast %scan3A_220 : i32 to index
      %swap3A_226 = arith.constant 16 : index
      %swap3A_227 = tpu.vector_load %arg9[%swap3A_225, %swap3A_226] {strides = array<i32>} : memref<80x64xf32, #tpu.memory_space<vmem>>, vector<1x16xf32>,
      %swap3A_228 = vector.shape_cast %swap3A_227 : vector<1x16xf32> to vector<16xf32>
      %swap3A_229 = vector.shape_cast %broadcast_in_dim3A_15 : vector<16xf32> to vector<1x16xf32>
      tpu.vector_store %arg9[%swap3A_225, %swap3A_226], %swap3A_229 {strides = array<i32>} : memref<80x64xf32, #tpu.memory_space<vmem>>, vector<1x16xf32>,
      %swap3A_230 = arith.index_cast %scan3A_220 : i32 to index
      %swap3A_231 = arith.constant 32 : index
      %swap3A_232 = tpu.vector_load %arg9[%swap3A_230, %swap3A_231] {strides = array<i32>} : memref<80x64xf32, #tpu.memory_space<vmem>>, vector<1x16xf32>,
      %swap3A_233 = vector.shape_cast %swap3A_232 : vector<1x16xf32> to vector<16xf32>
      %swap3A_234 = vector.shape_cast %broadcast_in_dim3A_15 : vector<16xf32> to vector<1x16xf32>
      tpu.vector_store %arg9[%swap3A_230, %swap3A_231], %swap3A_234 {strides = array<i32>} : memref<80x64xf32, #tpu.memory_space<vmem>>, vector<1x16xf32>,
      %swap3A_235 = arith.index_cast %scan3A_220 : i32 to index
      %swap3A_236 = arith.constant 48 : index
      %swap3A_237 = tpu.vector_load %arg9[%swap3A_235, %swap3A_236] {strides = array<i32>} : memref<80x64xf32, #tpu.memory_space<vmem>>, vector<1x16xf32>,
      %swap3A_238 = vector.shape_cast %swap3A_237 : vector<1x16xf32> to vector<16xf32>
      %swap3A_239 = vector.shape_cast %broadcast_in_dim3A_15 : vector<16xf32> to vector<1x16xf32>
      tpu.vector_store %arg9[%swap3A_235, %swap3A_236], %swap3A_239 {strides = array<i32>} : memref<80x64xf32, #tpu.memory_space<vmem>>, vector<1x16xf32>,
    }
    %scan3A_19 = arith.constant 80 : i32
    %mul3A = arith.constant 640 : i32
    %mul3A_20 = arith.muli %arg1, %mul3A : i32
    %add3A = arith.constant 0 : i32
    %add3A_21 = arith.addi %mul3A_20, %add3A : i32
    "tpu.region"() ({
      %run_scoped3A = tpu.sem_alloc : memref<!tpu.dma_semaphore, #tpu.memory_space<semaphore_mem>>
      %dma_start3A_220 = arith.constant 0 : i32
      %dma_start3A_221 = tpu.memref_slice %arg21[%add3A_21, %dma_start3A_220] : memref<10240x64xf32, #tpu.memory_space<vmem_shared>> -> memref<80x64xf32, #tpu.memory_space<vmem_shared>>
      %dma_start3A_222 = arith.constant 0 : i32
      %dma_start3A_223 = tpu.memref_slice %arg21[%add3A_21, %dma_start3A_222] : memref<10240x64xf32, #tpu.memory_space<vmem_shared>> -> memref<80x64xf32, #tpu.memory_space<vmem_shared>>
      tpu.enqueue_dma source(%arg9 : memref<80x64xf32, #tpu.memory_space<vmem>>) target(%dma_start3A_223 : memref<80x64xf32, #tpu.memory_space<vmem_shared>>) target_semaphore(%run_scoped3A : memref<!tpu.dma_semaphore, #tpu.memory_space<semaphore_mem>>)
      %dma_wait3A_224 = arith.constant 0 : i32
      %dma_wait3A_225 = tpu.memref_slice %arg21[%add3A_21, %dma_wait3A_224] : memref<10240x64xf32, #tpu.memory_space<vmem_shared>> -> memref<80x64xf32, #tpu.memory_space<vmem_shared>>
      %dma_wait3A_226 = arith.constant 0 : i32
      %dma_wait3A_227 = tpu.memref_slice %arg21[%add3A_21, %dma_wait3A_226] : memref<10240x64xf32, #tpu.memory_space<vmem_shared>> -> memref<80x64xf32, #tpu.memory_space<vmem_shared>>
      tpu.wait_dma2 semaphore(%run_scoped3A : memref<!tpu.dma_semaphore, #tpu.memory_space<semaphore_mem>>) src(%arg9 : memref<80x64xf32, #tpu.memory_space<vmem>>) dst(%dma_wait3A_227 : memref<80x64xf32, #tpu.memory_space<vmem_shared>>)
      tpu.yield
    }) : () -> ()
    %mul3A_22 = arith.constant 640 : i32
    %mul3A_23 = arith.muli %arg1, %mul3A_22 : i32
    %add3A_24 = arith.constant 80 : i32
    %add3A_25 = arith.addi %mul3A_23, %add3A_24 : i32
    "tpu.region"() ({
      %run_scoped3A = tpu.sem_alloc : memref<!tpu.dma_semaphore, #tpu.memory_space<semaphore_mem>>
      %dma_start3A_220 = arith.constant 0 : i32
      %dma_start3A_221 = tpu.memref_slice %arg21[%add3A_25, %dma_start3A_220] : memref<10240x64xf32, #tpu.memory_space<vmem_shared>> -> memref<80x64xf32, #tpu.memory_space<vmem_shared>>
      %dma_start3A_222 = arith.constant 0 : i32
      %dma_start3A_223 = tpu.memref_slice %arg21[%add3A_25, %dma_start3A_222] : memref<10240x64xf32, #tpu.memory_space<vmem_shared>> -> memref<80x64xf32, #tpu.memory_space<vmem_shared>>
      tpu.enqueue_dma source(%arg9 : memref<80x64xf32, #tpu.memory_space<vmem>>) target(%dma_start3A_223 : memref<80x64xf32, #tpu.memory_space<vmem_shared>>) target_semaphore(%run_scoped3A : memref<!tpu.dma_semaphore, #tpu.memory_space<semaphore_mem>>)
      %dma_wait3A_224 = arith.constant 0 : i32
      %dma_wait3A_225 = tpu.memref_slice %arg21[%add3A_25, %dma_wait3A_224] : memref<10240x64xf32, #tpu.memory_space<vmem_shared>> -> memref<80x64xf32, #tpu.memory_space<vmem_shared>>
      %dma_wait3A_226 = arith.constant 0 : i32
      %dma_wait3A_227 = tpu.memref_slice %arg21[%add3A_25, %dma_wait3A_226] : memref<10240x64xf32, #tpu.memory_space<vmem_shared>> -> memref<80x64xf32, #tpu.memory_space<vmem_shared>>
      tpu.wait_dma2 semaphore(%run_scoped3A : memref<!tpu.dma_semaphore, #tpu.memory_space<semaphore_mem>>) src(%arg9 : memref<80x64xf32, #tpu.memory_space<vmem>>) dst(%dma_wait3A_227 : memref<80x64xf32, #tpu.memory_space<vmem_shared>>)
      tpu.yield
    }) : () -> ()
    %mul3A_26 = arith.constant 640 : i32
    %mul3A_27 = arith.muli %arg1, %mul3A_26 : i32
    %add3A_28 = arith.constant 160 : i32
    %add3A_29 = arith.addi %mul3A_27, %add3A_28 : i32
    "tpu.region"() ({
      %run_scoped3A = tpu.sem_alloc : memref<!tpu.dma_semaphore, #tpu.memory_space<semaphore_mem>>
      %dma_start3A_220 = arith.constant 0 : i32
      %dma_start3A_221 = tpu.memref_slice %arg21[%add3A_29, %dma_start3A_220] : memref<10240x64xf32, #tpu.memory_space<vmem_shared>> -> memref<80x64xf32, #tpu.memory_space<vmem_shared>>
      %dma_start3A_222 = arith.constant 0 : i32
      %dma_start3A_223 = tpu.memref_slice %arg21[%add3A_29, %dma_start3A_222] : memref<10240x64xf32, #tpu.memory_space<vmem_shared>> -> memref<80x64xf32, #tpu.memory_space<vmem_shared>>
      tpu.enqueue_dma source(%arg9 : memref<80x64xf32, #tpu.memory_space<vmem>>) target(%dma_start3A_223 : memref<80x64xf32, #tpu.memory_space<vmem_shared>>) target_semaphore(%run_scoped3A : memref<!tpu.dma_semaphore, #tpu.memory_space<semaphore_mem>>)
      %dma_wait3A_224 = arith.constant 0 : i32
      %dma_wait3A_225 = tpu.memref_slice %arg21[%add3A_29, %dma_wait3A_224] : memref<10240x64xf32, #tpu.memory_space<vmem_shared>> -> memref<80x64xf32, #tpu.memory_space<vmem_shared>>
      %dma_wait3A_226 = arith.constant 0 : i32
      %dma_wait3A_227 = tpu.memref_slice %arg21[%add3A_29, %dma_wait3A_226] : memref<10240x64xf32, #tpu.memory_space<vmem_shared>> -> memref<80x64xf32, #tpu.memory_space<vmem_shared>>
      tpu.wait_dma2 semaphore(%run_scoped3A : memref<!tpu.dma_semaphore, #tpu.memory_space<semaphore_mem>>) src(%arg9 : memref<80x64xf32, #tpu.memory_space<vmem>>) dst(%dma_wait3A_227 : memref<80x64xf32, #tpu.memory_space<vmem_shared>>)
      tpu.yield
    }) : () -> ()
    %mul3A_30 = arith.constant 640 : i32
    %mul3A_31 = arith.muli %arg1, %mul3A_30 : i32
    %add3A_32 = arith.constant 240 : i32
    %add3A_33 = arith.addi %mul3A_31, %add3A_32 : i32
    "tpu.region"() ({
      %run_scoped3A = tpu.sem_alloc : memref<!tpu.dma_semaphore, #tpu.memory_space<semaphore_mem>>
      %dma_start3A_220 = arith.constant 0 : i32
      %dma_start3A_221 = tpu.memref_slice %arg21[%add3A_33, %dma_start3A_220] : memref<10240x64xf32, #tpu.memory_space<vmem_shared>> -> memref<80x64xf32, #tpu.memory_space<vmem_shared>>
      %dma_start3A_222 = arith.constant 0 : i32
      %dma_start3A_223 = tpu.memref_slice %arg21[%add3A_33, %dma_start3A_222] : memref<10240x64xf32, #tpu.memory_space<vmem_shared>> -> memref<80x64xf32, #tpu.memory_space<vmem_shared>>
      tpu.enqueue_dma source(%arg9 : memref<80x64xf32, #tpu.memory_space<vmem>>) target(%dma_start3A_223 : memref<80x64xf32, #tpu.memory_space<vmem_shared>>) target_semaphore(%run_scoped3A : memref<!tpu.dma_semaphore, #tpu.memory_space<semaphore_mem>>)
      %dma_wait3A_224 = arith.constant 0 : i32
      %dma_wait3A_225 = tpu.memref_slice %arg21[%add3A_33, %dma_wait3A_224] : memref<10240x64xf32, #tpu.memory_space<vmem_shared>> -> memref<80x64xf32, #tpu.memory_space<vmem_shared>>
      %dma_wait3A_226 = arith.constant 0 : i32
      %dma_wait3A_227 = tpu.memref_slice %arg21[%add3A_33, %dma_wait3A_226] : memref<10240x64xf32, #tpu.memory_space<vmem_shared>> -> memref<80x64xf32, #tpu.memory_space<vmem_shared>>
      tpu.wait_dma2 semaphore(%run_scoped3A : memref<!tpu.dma_semaphore, #tpu.memory_space<semaphore_mem>>) src(%arg9 : memref<80x64xf32, #tpu.memory_space<vmem>>) dst(%dma_wait3A_227 : memref<80x64xf32, #tpu.memory_space<vmem_shared>>)
      tpu.yield
    }) : () -> ()
    %mul3A_34 = arith.constant 640 : i32
    %mul3A_35 = arith.muli %arg1, %mul3A_34 : i32
    %add3A_36 = arith.constant 320 : i32
    %add3A_37 = arith.addi %mul3A_35, %add3A_36 : i32
    "tpu.region"() ({
      %run_scoped3A = tpu.sem_alloc : memref<!tpu.dma_semaphore, #tpu.memory_space<semaphore_mem>>
      %dma_start3A_220 = arith.constant 0 : i32
      %dma_start3A_221 = tpu.memref_slice %arg21[%add3A_37, %dma_start3A_220] : memref<10240x64xf32, #tpu.memory_space<vmem_shared>> -> memref<80x64xf32, #tpu.memory_space<vmem_shared>>
      %dma_start3A_222 = arith.constant 0 : i32
      %dma_start3A_223 = tpu.memref_slice %arg21[%add3A_37, %dma_start3A_222] : memref<10240x64xf32, #tpu.memory_space<vmem_shared>> -> memref<80x64xf32, #tpu.memory_space<vmem_shared>>
      tpu.enqueue_dma source(%arg9 : memref<80x64xf32, #tpu.memory_space<vmem>>) target(%dma_start3A_223 : memref<80x64xf32, #tpu.memory_space<vmem_shared>>) target_semaphore(%run_scoped3A : memref<!tpu.dma_semaphore, #tpu.memory_space<semaphore_mem>>)
      %dma_wait3A_224 = arith.constant 0 : i32
      %dma_wait3A_225 = tpu.memref_slice %arg21[%add3A_37, %dma_wait3A_224] : memref<10240x64xf32, #tpu.memory_space<vmem_shared>> -> memref<80x64xf32, #tpu.memory_space<vmem_shared>>
      %dma_wait3A_226 = arith.constant 0 : i32
      %dma_wait3A_227 = tpu.memref_slice %arg21[%add3A_37, %dma_wait3A_226] : memref<10240x64xf32, #tpu.memory_space<vmem_shared>> -> memref<80x64xf32, #tpu.memory_space<vmem_shared>>
      tpu.wait_dma2 semaphore(%run_scoped3A : memref<!tpu.dma_semaphore, #tpu.memory_space<semaphore_mem>>) src(%arg9 : memref<80x64xf32, #tpu.memory_space<vmem>>) dst(%dma_wait3A_227 : memref<80x64xf32, #tpu.memory_space<vmem_shared>>)
      tpu.yield
    }) : () -> ()
    %mul3A_38 = arith.constant 640 : i32
    %mul3A_39 = arith.muli %arg1, %mul3A_38 : i32
    %add3A_40 = arith.constant 400 : i32
    %add3A_41 = arith.addi %mul3A_39, %add3A_40 : i32
    "tpu.region"() ({
      %run_scoped3A = tpu.sem_alloc : memref<!tpu.dma_semaphore, #tpu.memory_space<semaphore_mem>>
      %dma_start3A_220 = arith.constant 0 : i32
      %dma_start3A_221 = tpu.memref_slice %arg21[%add3A_41, %dma_start3A_220] : memref<10240x64xf32, #tpu.memory_space<vmem_shared>> -> memref<80x64xf32, #tpu.memory_space<vmem_shared>>
      %dma_start3A_222 = arith.constant 0 : i32
      %dma_start3A_223 = tpu.memref_slice %arg21[%add3A_41, %dma_start3A_222] : memref<10240x64xf32, #tpu.memory_space<vmem_shared>> -> memref<80x64xf32, #tpu.memory_space<vmem_shared>>
      tpu.enqueue_dma source(%arg9 : memref<80x64xf32, #tpu.memory_space<vmem>>) target(%dma_start3A_223 : memref<80x64xf32, #tpu.memory_space<vmem_shared>>) target_semaphore(%run_scoped3A : memref<!tpu.dma_semaphore, #tpu.memory_space<semaphore_mem>>)
      %dma_wait3A_224 = arith.constant 0 : i32
      %dma_wait3A_225 = tpu.memref_slice %arg21[%add3A_41, %dma_wait3A_224] : memref<10240x64xf32, #tpu.memory_space<vmem_shared>> -> memref<80x64xf32, #tpu.memory_space<vmem_shared>>
      %dma_wait3A_226 = arith.constant 0 : i32
      %dma_wait3A_227 = tpu.memref_slice %arg21[%add3A_41, %dma_wait3A_226] : memref<10240x64xf32, #tpu.memory_space<vmem_shared>> -> memref<80x64xf32, #tpu.memory_space<vmem_shared>>
      tpu.wait_dma2 semaphore(%run_scoped3A : memref<!tpu.dma_semaphore, #tpu.memory_space<semaphore_mem>>) src(%arg9 : memref<80x64xf32, #tpu.memory_space<vmem>>) dst(%dma_wait3A_227 : memref<80x64xf32, #tpu.memory_space<vmem_shared>>)
      tpu.yield
    }) : () -> ()
    %mul3A_42 = arith.constant 640 : i32
    %mul3A_43 = arith.muli %arg1, %mul3A_42 : i32
    %add3A_44 = arith.constant 480 : i32
    %add3A_45 = arith.addi %mul3A_43, %add3A_44 : i32
    "tpu.region"() ({
      %run_scoped3A = tpu.sem_alloc : memref<!tpu.dma_semaphore, #tpu.memory_space<semaphore_mem>>
      %dma_start3A_220 = arith.constant 0 : i32
      %dma_start3A_221 = tpu.memref_slice %arg21[%add3A_45, %dma_start3A_220] : memref<10240x64xf32, #tpu.memory_space<vmem_shared>> -> memref<80x64xf32, #tpu.memory_space<vmem_shared>>
      %dma_start3A_222 = arith.constant 0 : i32
      %dma_start3A_223 = tpu.memref_slice %arg21[%add3A_45, %dma_start3A_222] : memref<10240x64xf32, #tpu.memory_space<vmem_shared>> -> memref<80x64xf32, #tpu.memory_space<vmem_shared>>
      tpu.enqueue_dma source(%arg9 : memref<80x64xf32, #tpu.memory_space<vmem>>) target(%dma_start3A_223 : memref<80x64xf32, #tpu.memory_space<vmem_shared>>) target_semaphore(%run_scoped3A : memref<!tpu.dma_semaphore, #tpu.memory_space<semaphore_mem>>)
      %dma_wait3A_224 = arith.constant 0 : i32
      %dma_wait3A_225 = tpu.memref_slice %arg21[%add3A_45, %dma_wait3A_224] : memref<10240x64xf32, #tpu.memory_space<vmem_shared>> -> memref<80x64xf32, #tpu.memory_space<vmem_shared>>
      %dma_wait3A_226 = arith.constant 0 : i32
      %dma_wait3A_227 = tpu.memref_slice %arg21[%add3A_45, %dma_wait3A_226] : memref<10240x64xf32, #tpu.memory_space<vmem_shared>> -> memref<80x64xf32, #tpu.memory_space<vmem_shared>>
      tpu.wait_dma2 semaphore(%run_scoped3A : memref<!tpu.dma_semaphore, #tpu.memory_space<semaphore_mem>>) src(%arg9 : memref<80x64xf32, #tpu.memory_space<vmem>>) dst(%dma_wait3A_227 : memref<80x64xf32, #tpu.memory_space<vmem_shared>>)
      tpu.yield
    }) : () -> ()
    %mul3A_46 = arith.constant 640 : i32
    %mul3A_47 = arith.muli %arg1, %mul3A_46 : i32
    %add3A_48 = arith.constant 560 : i32
    %add3A_49 = arith.addi %mul3A_47, %add3A_48 : i32
    "tpu.region"() ({
      %run_scoped3A = tpu.sem_alloc : memref<!tpu.dma_semaphore, #tpu.memory_space<semaphore_mem>>
      %dma_start3A_220 = arith.constant 0 : i32
      %dma_start3A_221 = tpu.memref_slice %arg21[%add3A_49, %dma_start3A_220] : memref<10240x64xf32, #tpu.memory_space<vmem_shared>> -> memref<80x64xf32, #tpu.memory_space<vmem_shared>>
      %dma_start3A_222 = arith.constant 0 : i32
      %dma_start3A_223 = tpu.memref_slice %arg21[%add3A_49, %dma_start3A_222] : memref<10240x64xf32, #tpu.memory_space<vmem_shared>> -> memref<80x64xf32, #tpu.memory_space<vmem_shared>>
      tpu.enqueue_dma source(%arg9 : memref<80x64xf32, #tpu.memory_space<vmem>>) target(%dma_start3A_223 : memref<80x64xf32, #tpu.memory_space<vmem_shared>>) target_semaphore(%run_scoped3A : memref<!tpu.dma_semaphore, #tpu.memory_space<semaphore_mem>>)
      %dma_wait3A_224 = arith.constant 0 : i32
      %dma_wait3A_225 = tpu.memref_slice %arg21[%add3A_49, %dma_wait3A_224] : memref<10240x64xf32, #tpu.memory_space<vmem_shared>> -> memref<80x64xf32, #tpu.memory_space<vmem_shared>>
      %dma_wait3A_226 = arith.constant 0 : i32
      %dma_wait3A_227 = tpu.memref_slice %arg21[%add3A_49, %dma_wait3A_226] : memref<10240x64xf32, #tpu.memory_space<vmem_shared>> -> memref<80x64xf32, #tpu.memory_space<vmem_shared>>
      tpu.wait_dma2 semaphore(%run_scoped3A : memref<!tpu.dma_semaphore, #tpu.memory_space<semaphore_mem>>) src(%arg9 : memref<80x64xf32, #tpu.memory_space<vmem>>) dst(%dma_wait3A_227 : memref<80x64xf32, #tpu.memory_space<vmem_shared>>)
      tpu.yield
    }) : () -> ()
    %dma_wait3A = arith.constant 0 : i32
    %dma_wait3A_50 = arith.constant 0 : i32
    %dma_wait3A_51 = tpu.memref_slice %arg4[%arg1, %dma_wait3A, %dma_wait3A_50] : memref<16x250x80xi32, #tpu.memory_space<hbm>> -> memref<1x250x80xi32, #tpu.memory_space<hbm>>
    %dma_wait3A_52 = tpu.memref_squeeze %dma_wait3A_51 : memref<1x250x80xi32, #tpu.memory_space<hbm>> -> memref<250x80xi32, #tpu.memory_space<hbm>>
    %dma_wait3A_53 = arith.constant 0 : i32
    %dma_wait3A_54 = arith.constant 0 : i32
    %dma_wait3A_55 = tpu.memref_slice %arg4[%arg1, %dma_wait3A_53, %dma_wait3A_54] : memref<16x250x80xi32, #tpu.memory_space<hbm>> -> memref<1x250x80xi32, #tpu.memory_space<hbm>>
    %dma_wait3A_56 = tpu.memref_squeeze %dma_wait3A_55 : memref<1x250x80xi32, #tpu.memory_space<hbm>> -> memref<250x80xi32, #tpu.memory_space<hbm>>
    tpu.wait_dma2 semaphore(%arg22 : memref<!tpu.dma_semaphore, #tpu.memory_space<semaphore_mem>>) src(%dma_wait3A_56 : memref<250x80xi32, #tpu.memory_space<hbm>>) dst(%arg7 : memref<250x80xi32, #tpu.memory_space<vmem>>)
    %dma_wait3A_57 = arith.constant 0 : i32
    %dma_wait3A_58 = arith.constant 0 : i32
    %dma_wait3A_59 = tpu.memref_slice %arg5[%arg1, %dma_wait3A_57, %dma_wait3A_58] : memref<16x250x80xi32, #tpu.memory_space<hbm>> -> memref<1x250x80xi32, #tpu.memory_space<hbm>>
    %dma_wait3A_60 = tpu.memref_squeeze %dma_wait3A_59 : memref<1x250x80xi32, #tpu.memory_space<hbm>> -> memref<250x80xi32, #tpu.memory_space<hbm>>
    %dma_wait3A_61 = arith.constant 0 : i32
    %dma_wait3A_62 = arith.constant 0 : i32
    %dma_wait3A_63 = tpu.memref_slice %arg5[%arg1, %dma_wait3A_61, %dma_wait3A_62] : memref<16x250x80xi32, #tpu.memory_space<hbm>> -> memref<1x250x80xi32, #tpu.memory_space<hbm>>
    %dma_wait3A_64 = tpu.memref_squeeze %dma_wait3A_63 : memref<1x250x80xi32, #tpu.memory_space<hbm>> -> memref<250x80xi32, #tpu.memory_space<hbm>>
    tpu.wait_dma2 semaphore(%arg22 : memref<!tpu.dma_semaphore, #tpu.memory_space<semaphore_mem>>) src(%dma_wait3A_64 : memref<250x80xi32, #tpu.memory_space<hbm>>) dst(%arg8 : memref<250x80xi32, #tpu.memory_space<vmem>>)
    %barrier3A = arith.constant 0 : index
    tpu.barrier barrier_id(%barrier3A)
    %eq3A = arith.constant 0 : i32
    %eq3A_65 = arith.cmpi eq, %arg0, %eq3A : i32
    %convert_element_type3A = arith.extui %eq3A_65 : i1 to i32
    %cond3A = arith.constant 0 : i32
    %cond3A_66 = arith.cmpi ne, %convert_element_type3A, %cond3A : i32
    scf.if %cond3A_66 {
      %dma_start3A_220 = arith.constant 0 : i32
      %dma_start3A_221 = arith.constant 0 : i32
      %dma_start3A_222 = tpu.memref_slice %arg7[%dma_start3A_220, %dma_start3A_221] : memref<250x80xi32, #tpu.memory_space<vmem>> -> memref<1x80xi32, #tpu.memory_space<vmem>>
      %dma_start3A_223 = tpu.memref_squeeze %dma_start3A_222 : memref<1x80xi32, #tpu.memory_space<vmem>> -> memref<80xi32, #tpu.memory_space<vmem>>
      %dma_start3A_224 = arith.constant 0 : i32
      %dma_start3A_225 = arith.constant 0 : i32
      %dma_start3A_226 = tpu.memref_slice %arg2[%dma_start3A_224, %dma_start3A_225] : memref<10000x64xf32, #tpu.memory_space<hbm>> -> memref<10000x64xf32, #tpu.memory_space<hbm>>
      tpu.enqueue_indirect_dma source(%dma_start3A_226 : memref<10000x64xf32, #tpu.memory_space<hbm>>) target(%arg9 : memref<80x64xf32, #tpu.memory_space<vmem>>) offsets(%dma_start3A_223 : memref<80xi32, #tpu.memory_space<vmem>>) semaphore(%arg15 : memref<!tpu.dma_semaphore, #tpu.memory_space<semaphore_mem>>)
    } else {
    }
    %eq3A_67 = arith.constant 1 : i32
    %eq3A_68 = arith.cmpi eq, %arg0, %eq3A_67 : i32
    %convert_element_type3A_69 = arith.extui %eq3A_68 : i1 to i32
    %cond3A_70 = arith.constant 0 : i32
    %cond3A_71 = arith.cmpi ne, %convert_element_type3A_69, %cond3A_70 : i32
    scf.if %cond3A_71 {
      %dma_start3A_220 = arith.constant 0 : i32
      %dma_start3A_221 = arith.constant 0 : i32
      %dma_start3A_222 = tpu.memref_slice %arg7[%dma_start3A_220, %dma_start3A_221] : memref<250x80xi32, #tpu.memory_space<vmem>> -> memref<1x80xi32, #tpu.memory_space<vmem>>
      %dma_start3A_223 = tpu.memref_squeeze %dma_start3A_222 : memref<1x80xi32, #tpu.memory_space<vmem>> -> memref<80xi32, #tpu.memory_space<vmem>>
      %dma_start3A_224 = arith.constant 0 : i32
      %dma_start3A_225 = arith.constant 0 : i32
      %dma_start3A_226 = tpu.memref_slice %arg3[%dma_start3A_224, %dma_start3A_225] : memref<10000x64xf32, #tpu.memory_space<hbm>> -> memref<10000x64xf32, #tpu.memory_space<hbm>>
      tpu.enqueue_indirect_dma source(%dma_start3A_226 : memref<10000x64xf32, #tpu.memory_space<hbm>>) target(%arg9 : memref<80x64xf32, #tpu.memory_space<vmem>>) offsets(%dma_start3A_223 : memref<80xi32, #tpu.memory_space<vmem>>) semaphore(%arg15 : memref<!tpu.dma_semaphore, #tpu.memory_space<semaphore_mem>>)
    } else {
    }
    %eq3A_72 = arith.constant 0 : i32
    %eq3A_73 = arith.cmpi eq, %arg0, %eq3A_72 : i32
    %convert_element_type3A_74 = arith.extui %eq3A_73 : i1 to i32
    %cond3A_75 = arith.constant 0 : i32
    %cond3A_76 = arith.cmpi ne, %convert_element_type3A_74, %cond3A_75 : i32
    scf.if %cond3A_76 {
      %dma_start3A_220 = arith.constant 1 : i32
      %dma_start3A_221 = arith.constant 0 : i32
      %dma_start3A_222 = tpu.memref_slice %arg7[%dma_start3A_220, %dma_start3A_221] : memref<250x80xi32, #tpu.memory_space<vmem>> -> memref<1x80xi32, #tpu.memory_space<vmem>>
      %dma_start3A_223 = tpu.memref_squeeze %dma_start3A_222 : memref<1x80xi32, #tpu.memory_space<vmem>> -> memref<80xi32, #tpu.memory_space<vmem>>
      %dma_start3A_224 = arith.constant 0 : i32
      %dma_start3A_225 = arith.constant 0 : i32
      %dma_start3A_226 = tpu.memref_slice %arg2[%dma_start3A_224, %dma_start3A_225] : memref<10000x64xf32, #tpu.memory_space<hbm>> -> memref<10000x64xf32, #tpu.memory_space<hbm>>
      tpu.enqueue_indirect_dma source(%dma_start3A_226 : memref<10000x64xf32, #tpu.memory_space<hbm>>) target(%arg10 : memref<80x64xf32, #tpu.memory_space<vmem>>) offsets(%dma_start3A_223 : memref<80xi32, #tpu.memory_space<vmem>>) semaphore(%arg16 : memref<!tpu.dma_semaphore, #tpu.memory_space<semaphore_mem>>)
    } else {
    }
    %eq3A_77 = arith.constant 1 : i32
    %eq3A_78 = arith.cmpi eq, %arg0, %eq3A_77 : i32
    %convert_element_type3A_79 = arith.extui %eq3A_78 : i1 to i32
    %cond3A_80 = arith.constant 0 : i32
    %cond3A_81 = arith.cmpi ne, %convert_element_type3A_79, %cond3A_80 : i32
    scf.if %cond3A_81 {
      %dma_start3A_220 = arith.constant 1 : i32
      %dma_start3A_221 = arith.constant 0 : i32
      %dma_start3A_222 = tpu.memref_slice %arg7[%dma_start3A_220, %dma_start3A_221] : memref<250x80xi32, #tpu.memory_space<vmem>> -> memref<1x80xi32, #tpu.memory_space<vmem>>
      %dma_start3A_223 = tpu.memref_squeeze %dma_start3A_222 : memref<1x80xi32, #tpu.memory_space<vmem>> -> memref<80xi32, #tpu.memory_space<vmem>>
      %dma_start3A_224 = arith.constant 0 : i32
      %dma_start3A_225 = arith.constant 0 : i32
      %dma_start3A_226 = tpu.memref_slice %arg3[%dma_start3A_224, %dma_start3A_225] : memref<10000x64xf32, #tpu.memory_space<hbm>> -> memref<10000x64xf32, #tpu.memory_space<hbm>>
      tpu.enqueue_indirect_dma source(%dma_start3A_226 : memref<10000x64xf32, #tpu.memory_space<hbm>>) target(%arg10 : memref<80x64xf32, #tpu.memory_space<vmem>>) offsets(%dma_start3A_223 : memref<80xi32, #tpu.memory_space<vmem>>) semaphore(%arg16 : memref<!tpu.dma_semaphore, #tpu.memory_space<semaphore_mem>>)
    } else {
    }
    %eq3A_82 = arith.constant 0 : i32
    %eq3A_83 = arith.cmpi eq, %arg0, %eq3A_82 : i32
    %convert_element_type3A_84 = arith.extui %eq3A_83 : i1 to i32
    %cond3A_85 = arith.constant 0 : i32
    %cond3A_86 = arith.cmpi ne, %convert_element_type3A_84, %cond3A_85 : i32
    scf.if %cond3A_86 {
      %dma_start3A_220 = arith.constant 2 : i32
      %dma_start3A_221 = arith.constant 0 : i32
      %dma_start3A_222 = tpu.memref_slice %arg7[%dma_start3A_220, %dma_start3A_221] : memref<250x80xi32, #tpu.memory_space<vmem>> -> memref<1x80xi32, #tpu.memory_space<vmem>>
      %dma_start3A_223 = tpu.memref_squeeze %dma_start3A_222 : memref<1x80xi32, #tpu.memory_space<vmem>> -> memref<80xi32, #tpu.memory_space<vmem>>
      %dma_start3A_224 = arith.constant 0 : i32
      %dma_start3A_225 = arith.constant 0 : i32
      %dma_start3A_226 = tpu.memref_slice %arg2[%dma_start3A_224, %dma_start3A_225] : memref<10000x64xf32, #tpu.memory_space<hbm>> -> memref<10000x64xf32, #tpu.memory_space<hbm>>
      tpu.enqueue_indirect_dma source(%dma_start3A_226 : memref<10000x64xf32, #tpu.memory_space<hbm>>) target(%arg11 : memref<80x64xf32, #tpu.memory_space<vmem>>) offsets(%dma_start3A_223 : memref<80xi32, #tpu.memory_space<vmem>>) semaphore(%arg17 : memref<!tpu.dma_semaphore, #tpu.memory_space<semaphore_mem>>)
    } else {
    }
    %eq3A_87 = arith.constant 1 : i32
    %eq3A_88 = arith.cmpi eq, %arg0, %eq3A_87 : i32
    %convert_element_type3A_89 = arith.extui %eq3A_88 : i1 to i32
    %cond3A_90 = arith.constant 0 : i32
    %cond3A_91 = arith.cmpi ne, %convert_element_type3A_89, %cond3A_90 : i32
    scf.if %cond3A_91 {
      %dma_start3A_220 = arith.constant 2 : i32
      %dma_start3A_221 = arith.constant 0 : i32
      %dma_start3A_222 = tpu.memref_slice %arg7[%dma_start3A_220, %dma_start3A_221] : memref<250x80xi32, #tpu.memory_space<vmem>> -> memref<1x80xi32, #tpu.memory_space<vmem>>
      %dma_start3A_223 = tpu.memref_squeeze %dma_start3A_222 : memref<1x80xi32, #tpu.memory_space<vmem>> -> memref<80xi32, #tpu.memory_space<vmem>>
      %dma_start3A_224 = arith.constant 0 : i32
      %dma_start3A_225 = arith.constant 0 : i32
      %dma_start3A_226 = tpu.memref_slice %arg3[%dma_start3A_224, %dma_start3A_225] : memref<10000x64xf32, #tpu.memory_space<hbm>> -> memref<10000x64xf32, #tpu.memory_space<hbm>>
      tpu.enqueue_indirect_dma source(%dma_start3A_226 : memref<10000x64xf32, #tpu.memory_space<hbm>>) target(%arg11 : memref<80x64xf32, #tpu.memory_space<vmem>>) offsets(%dma_start3A_223 : memref<80xi32, #tpu.memory_space<vmem>>) semaphore(%arg17 : memref<!tpu.dma_semaphore, #tpu.memory_space<semaphore_mem>>)
    } else {
    }
    %eq3A_92 = arith.constant 0 : i32
    %eq3A_93 = arith.cmpi eq, %arg0, %eq3A_92 : i32
    %convert_element_type3A_94 = arith.extui %eq3A_93 : i1 to i32
    %cond3A_95 = arith.constant 0 : i32
    %cond3A_96 = arith.cmpi ne, %convert_element_type3A_94, %cond3A_95 : i32
    scf.if %cond3A_96 {
      %dma_start3A_220 = arith.constant 3 : i32
      %dma_start3A_221 = arith.constant 0 : i32
      %dma_start3A_222 = tpu.memref_slice %arg7[%dma_start3A_220, %dma_start3A_221] : memref<250x80xi32, #tpu.memory_space<vmem>> -> memref<1x80xi32, #tpu.memory_space<vmem>>
      %dma_start3A_223 = tpu.memref_squeeze %dma_start3A_222 : memref<1x80xi32, #tpu.memory_space<vmem>> -> memref<80xi32, #tpu.memory_space<vmem>>
      %dma_start3A_224 = arith.constant 0 : i32
      %dma_start3A_225 = arith.constant 0 : i32
      %dma_start3A_226 = tpu.memref_slice %arg2[%dma_start3A_224, %dma_start3A_225] : memref<10000x64xf32, #tpu.memory_space<hbm>> -> memref<10000x64xf32, #tpu.memory_space<hbm>>
      tpu.enqueue_indirect_dma source(%dma_start3A_226 : memref<10000x64xf32, #tpu.memory_space<hbm>>) target(%arg12 : memref<80x64xf32, #tpu.memory_space<vmem>>) offsets(%dma_start3A_223 : memref<80xi32, #tpu.memory_space<vmem>>) semaphore(%arg18 : memref<!tpu.dma_semaphore, #tpu.memory_space<semaphore_mem>>)
    } else {
    }
    %eq3A_97 = arith.constant 1 : i32
    %eq3A_98 = arith.cmpi eq, %arg0, %eq3A_97 : i32
    %convert_element_type3A_99 = arith.extui %eq3A_98 : i1 to i32
    %cond3A_100 = arith.constant 0 : i32
    %cond3A_101 = arith.cmpi ne, %convert_element_type3A_99, %cond3A_100 : i32
    scf.if %cond3A_101 {
      %dma_start3A_220 = arith.constant 3 : i32
      %dma_start3A_221 = arith.constant 0 : i32
      %dma_start3A_222 = tpu.memref_slice %arg7[%dma_start3A_220, %dma_start3A_221] : memref<250x80xi32, #tpu.memory_space<vmem>> -> memref<1x80xi32, #tpu.memory_space<vmem>>
      %dma_start3A_223 = tpu.memref_squeeze %dma_start3A_222 : memref<1x80xi32, #tpu.memory_space<vmem>> -> memref<80xi32, #tpu.memory_space<vmem>>
      %dma_start3A_224 = arith.constant 0 : i32
      %dma_start3A_225 = arith.constant 0 : i32
      %dma_start3A_226 = tpu.memref_slice %arg3[%dma_start3A_224, %dma_start3A_225] : memref<10000x64xf32, #tpu.memory_space<hbm>> -> memref<10000x64xf32, #tpu.memory_space<hbm>>
      tpu.enqueue_indirect_dma source(%dma_start3A_226 : memref<10000x64xf32, #tpu.memory_space<hbm>>) target(%arg12 : memref<80x64xf32, #tpu.memory_space<vmem>>) offsets(%dma_start3A_223 : memref<80xi32, #tpu.memory_space<vmem>>) semaphore(%arg18 : memref<!tpu.dma_semaphore, #tpu.memory_space<semaphore_mem>>)
    } else {
    }
    %eq3A_102 = arith.constant 0 : i32
    %eq3A_103 = arith.cmpi eq, %arg0, %eq3A_102 : i32
    %convert_element_type3A_104 = arith.extui %eq3A_103 : i1 to i32
    %cond3A_105 = arith.constant 0 : i32
    %cond3A_106 = arith.cmpi ne, %convert_element_type3A_104, %cond3A_105 : i32
    scf.if %cond3A_106 {
      %dma_start3A_220 = arith.constant 4 : i32
      %dma_start3A_221 = arith.constant 0 : i32
      %dma_start3A_222 = tpu.memref_slice %arg7[%dma_start3A_220, %dma_start3A_221] : memref<250x80xi32, #tpu.memory_space<vmem>> -> memref<1x80xi32, #tpu.memory_space<vmem>>
      %dma_start3A_223 = tpu.memref_squeeze %dma_start3A_222 : memref<1x80xi32, #tpu.memory_space<vmem>> -> memref<80xi32, #tpu.memory_space<vmem>>
      %dma_start3A_224 = arith.constant 0 : i32
      %dma_start3A_225 = arith.constant 0 : i32
      %dma_start3A_226 = tpu.memref_slice %arg2[%dma_start3A_224, %dma_start3A_225] : memref<10000x64xf32, #tpu.memory_space<hbm>> -> memref<10000x64xf32, #tpu.memory_space<hbm>>
      tpu.enqueue_indirect_dma source(%dma_start3A_226 : memref<10000x64xf32, #tpu.memory_space<hbm>>) target(%arg13 : memref<80x64xf32, #tpu.memory_space<vmem>>) offsets(%dma_start3A_223 : memref<80xi32, #tpu.memory_space<vmem>>) semaphore(%arg19 : memref<!tpu.dma_semaphore, #tpu.memory_space<semaphore_mem>>)
    } else {
    }
    %eq3A_107 = arith.constant 1 : i32
    %eq3A_108 = arith.cmpi eq, %arg0, %eq3A_107 : i32
    %convert_element_type3A_109 = arith.extui %eq3A_108 : i1 to i32
    %cond3A_110 = arith.constant 0 : i32
    %cond3A_111 = arith.cmpi ne, %convert_element_type3A_109, %cond3A_110 : i32
    scf.if %cond3A_111 {
      %dma_start3A_220 = arith.constant 4 : i32
      %dma_start3A_221 = arith.constant 0 : i32
      %dma_start3A_222 = tpu.memref_slice %arg7[%dma_start3A_220, %dma_start3A_221] : memref<250x80xi32, #tpu.memory_space<vmem>> -> memref<1x80xi32, #tpu.memory_space<vmem>>
      %dma_start3A_223 = tpu.memref_squeeze %dma_start3A_222 : memref<1x80xi32, #tpu.memory_space<vmem>> -> memref<80xi32, #tpu.memory_space<vmem>>
      %dma_start3A_224 = arith.constant 0 : i32
      %dma_start3A_225 = arith.constant 0 : i32
      %dma_start3A_226 = tpu.memref_slice %arg3[%dma_start3A_224, %dma_start3A_225] : memref<10000x64xf32, #tpu.memory_space<hbm>> -> memref<10000x64xf32, #tpu.memory_space<hbm>>
      tpu.enqueue_indirect_dma source(%dma_start3A_226 : memref<10000x64xf32, #tpu.memory_space<hbm>>) target(%arg13 : memref<80x64xf32, #tpu.memory_space<vmem>>) offsets(%dma_start3A_223 : memref<80xi32, #tpu.memory_space<vmem>>) semaphore(%arg19 : memref<!tpu.dma_semaphore, #tpu.memory_space<semaphore_mem>>)
    } else {
    }
    %eq3A_112 = arith.constant 0 : i32
    %eq3A_113 = arith.cmpi eq, %arg0, %eq3A_112 : i32
    %convert_element_type3A_114 = arith.extui %eq3A_113 : i1 to i32
    %cond3A_115 = arith.constant 0 : i32
    %cond3A_116 = arith.cmpi ne, %convert_element_type3A_114, %cond3A_115 : i32
    scf.if %cond3A_116 {
      %dma_start3A_220 = arith.constant 5 : i32
      %dma_start3A_221 = arith.constant 0 : i32
      %dma_start3A_222 = tpu.memref_slice %arg7[%dma_start3A_220, %dma_start3A_221] : memref<250x80xi32, #tpu.memory_space<vmem>> -> memref<1x80xi32, #tpu.memory_space<vmem>>
      %dma_start3A_223 = tpu.memref_squeeze %dma_start3A_222 : memref<1x80xi32, #tpu.memory_space<vmem>> -> memref<80xi32, #tpu.memory_space<vmem>>
      %dma_start3A_224 = arith.constant 0 : i32
      %dma_start3A_225 = arith.constant 0 : i32
      %dma_start3A_226 = tpu.memref_slice %arg2[%dma_start3A_224, %dma_start3A_225] : memref<10000x64xf32, #tpu.memory_space<hbm>> -> memref<10000x64xf32, #tpu.memory_space<hbm>>
      tpu.enqueue_indirect_dma source(%dma_start3A_226 : memref<10000x64xf32, #tpu.memory_space<hbm>>) target(%arg14 : memref<80x64xf32, #tpu.memory_space<vmem>>) offsets(%dma_start3A_223 : memref<80xi32, #tpu.memory_space<vmem>>) semaphore(%arg20 : memref<!tpu.dma_semaphore, #tpu.memory_space<semaphore_mem>>)
    } else {
    }
    %eq3A_117 = arith.constant 1 : i32
    %eq3A_118 = arith.cmpi eq, %arg0, %eq3A_117 : i32
    %convert_element_type3A_119 = arith.extui %eq3A_118 : i1 to i32
    %cond3A_120 = arith.constant 0 : i32
    %cond3A_121 = arith.cmpi ne, %convert_element_type3A_119, %cond3A_120 : i32
    scf.if %cond3A_121 {
      %dma_start3A_220 = arith.constant 5 : i32
      %dma_start3A_221 = arith.constant 0 : i32
      %dma_start3A_222 = tpu.memref_slice %arg7[%dma_start3A_220, %dma_start3A_221] : memref<250x80xi32, #tpu.memory_space<vmem>> -> memref<1x80xi32, #tpu.memory_space<vmem>>
      %dma_start3A_223 = tpu.memref_squeeze %dma_start3A_222 : memref<1x80xi32, #tpu.memory_space<vmem>> -> memref<80xi32, #tpu.memory_space<vmem>>
      %dma_start3A_224 = arith.constant 0 : i32
      %dma_start3A_225 = arith.constant 0 : i32
      %dma_start3A_226 = tpu.memref_slice %arg3[%dma_start3A_224, %dma_start3A_225] : memref<10000x64xf32, #tpu.memory_space<hbm>> -> memref<10000x64xf32, #tpu.memory_space<hbm>>
      tpu.enqueue_indirect_dma source(%dma_start3A_226 : memref<10000x64xf32, #tpu.memory_space<hbm>>) target(%arg14 : memref<80x64xf32, #tpu.memory_space<vmem>>) offsets(%dma_start3A_223 : memref<80xi32, #tpu.memory_space<vmem>>) semaphore(%arg20 : memref<!tpu.dma_semaphore, #tpu.memory_space<semaphore_mem>>)
    } else {
    }
    %scan3A_122 = arith.constant 0 : i32
    %scan3A_123 = arith.constant 41 : i32
    %scan3A_124 = arith.addi %scan3A_122, %scan3A_123 : i32
    %scan3A_125 = arith.constant 1 : i32
    scf.for %scan3A_220 = %scan3A_122 to %scan3A_124 step %scan3A_125  : i32 {
      %mul3A_221 = arith.constant 6 : i32
      %mul3A_222 = arith.muli %mul3A_221, %scan3A_220 : i32
      %dma_wait3A_223 = arith.constant 0 : i32
      %dma_wait3A_224 = arith.constant 0 : i32
      %dma_wait3A_225 = tpu.memref_slice %arg7[%dma_wait3A_223, %dma_wait3A_224] : memref<250x80xi32, #tpu.memory_space<vmem>> -> memref<1x80xi32, #tpu.memory_space<vmem>>
      %dma_wait3A_226 = tpu.memref_squeeze %dma_wait3A_225 : memref<1x80xi32, #tpu.memory_space<vmem>> -> memref<80xi32, #tpu.memory_space<vmem>>
      %dma_wait3A_227 = arith.constant 0 : i32
      %dma_wait3A_228 = arith.constant 0 : i32
      %dma_wait3A_229 = tpu.memref_slice %arg2[%dma_wait3A_227, %dma_wait3A_228] : memref<10000x64xf32, #tpu.memory_space<hbm>> -> memref<10000x64xf32, #tpu.memory_space<hbm>>
      tpu.wait_indirect_dma semaphore(%arg15 : memref<!tpu.dma_semaphore, #tpu.memory_space<semaphore_mem>>) src(%dma_wait3A_229 : memref<10000x64xf32, #tpu.memory_space<hbm>>) dst(%arg9 : memref<80x64xf32, #tpu.memory_space<vmem>>)
      %add3A_230 = arith.constant 0 : i32
      %add3A_231 = arith.addi %mul3A_222, %add3A_230 : i32
      %dma_start3A_232 = arith.constant 0 : i32
      %dma_start3A_233 = tpu.memref_slice %arg8[%add3A_231, %dma_start3A_232] : memref<250x80xi32, #tpu.memory_space<vmem>> -> memref<1x80xi32, #tpu.memory_space<vmem>>
      %dma_start3A_234 = tpu.memref_squeeze %dma_start3A_233 : memref<1x80xi32, #tpu.memory_space<vmem>> -> memref<80xi32, #tpu.memory_space<vmem>>
      %dma_start3A_235 = arith.constant 0 : i32
      %dma_start3A_236 = arith.constant 0 : i32
      %dma_start3A_237 = tpu.memref_slice %arg21[%dma_start3A_235, %dma_start3A_236] : memref<10240x64xf32, #tpu.memory_space<vmem_shared>> -> memref<10240x64xf32, #tpu.memory_space<vmem_shared>>
      tpu.enqueue_indirect_dma source(%arg9 : memref<80x64xf32, #tpu.memory_space<vmem>>) target(%dma_start3A_237 : memref<10240x64xf32, #tpu.memory_space<vmem_shared>>) offsets(%dma_start3A_234 : memref<80xi32, #tpu.memory_space<vmem>>) semaphore(%arg15 : memref<!tpu.dma_semaphore, #tpu.memory_space<semaphore_mem>>) {add = true}
      %dma_wait3A_238 = arith.constant 0 : i32
      %dma_wait3A_239 = arith.constant 0 : i32
      %dma_wait3A_240 = tpu.memref_slice %arg7[%dma_wait3A_238, %dma_wait3A_239] : memref<250x80xi32, #tpu.memory_space<vmem>> -> memref<1x80xi32, #tpu.memory_space<vmem>>
      %dma_wait3A_241 = tpu.memref_squeeze %dma_wait3A_240 : memref<1x80xi32, #tpu.memory_space<vmem>> -> memref<80xi32, #tpu.memory_space<vmem>>
      %dma_wait3A_242 = arith.constant 0 : i32
      %dma_wait3A_243 = arith.constant 0 : i32
      %dma_wait3A_244 = tpu.memref_slice %arg2[%dma_wait3A_242, %dma_wait3A_243] : memref<10000x64xf32, #tpu.memory_space<hbm>> -> memref<10000x64xf32, #tpu.memory_space<hbm>>
      tpu.wait_indirect_dma semaphore(%arg16 : memref<!tpu.dma_semaphore, #tpu.memory_space<semaphore_mem>>) src(%dma_wait3A_244 : memref<10000x64xf32, #tpu.memory_space<hbm>>) dst(%arg10 : memref<80x64xf32, #tpu.memory_space<vmem>>)
      %add3A_245 = arith.constant 1 : i32
      %add3A_246 = arith.addi %mul3A_222, %add3A_245 : i32
      %dma_start3A_247 = arith.constant 0 : i32
      %dma_start3A_248 = tpu.memref_slice %arg8[%add3A_246, %dma_start3A_247] : memref<250x80xi32, #tpu.memory_space<vmem>> -> memref<1x80xi32, #tpu.memory_space<vmem>>
      %dma_start3A_249 = tpu.memref_squeeze %dma_start3A_248 : memref<1x80xi32, #tpu.memory_space<vmem>> -> memref<80xi32, #tpu.memory_space<vmem>>
      %dma_start3A_250 = arith.constant 0 : i32
      %dma_start3A_251 = arith.constant 0 : i32
      %dma_start3A_252 = tpu.memref_slice %arg21[%dma_start3A_250, %dma_start3A_251] : memref<10240x64xf32, #tpu.memory_space<vmem_shared>> -> memref<10240x64xf32, #tpu.memory_space<vmem_shared>>
      tpu.enqueue_indirect_dma source(%arg10 : memref<80x64xf32, #tpu.memory_space<vmem>>) target(%dma_start3A_252 : memref<10240x64xf32, #tpu.memory_space<vmem_shared>>) offsets(%dma_start3A_249 : memref<80xi32, #tpu.memory_space<vmem>>) semaphore(%arg16 : memref<!tpu.dma_semaphore, #tpu.memory_space<semaphore_mem>>) {add = true}
      %dma_wait3A_253 = arith.constant 0 : i32
      %dma_wait3A_254 = arith.constant 0 : i32
      %dma_wait3A_255 = tpu.memref_slice %arg7[%dma_wait3A_253, %dma_wait3A_254] : memref<250x80xi32, #tpu.memory_space<vmem>> -> memref<1x80xi32, #tpu.memory_space<vmem>>
      %dma_wait3A_256 = tpu.memref_squeeze %dma_wait3A_255 : memref<1x80xi32, #tpu.memory_space<vmem>> -> memref<80xi32, #tpu.memory_space<vmem>>
      %dma_wait3A_257 = arith.constant 0 : i32
      %dma_wait3A_258 = arith.constant 0 : i32
      %dma_wait3A_259 = tpu.memref_slice %arg2[%dma_wait3A_257, %dma_wait3A_258] : memref<10000x64xf32, #tpu.memory_space<hbm>> -> memref<10000x64xf32, #tpu.memory_space<hbm>>
      tpu.wait_indirect_dma semaphore(%arg17 : memref<!tpu.dma_semaphore, #tpu.memory_space<semaphore_mem>>) src(%dma_wait3A_259 : memref<10000x64xf32, #tpu.memory_space<hbm>>) dst(%arg11 : memref<80x64xf32, #tpu.memory_space<vmem>>)
      %add3A_260 = arith.constant 2 : i32
      %add3A_261 = arith.addi %mul3A_222, %add3A_260 : i32
      %dma_start3A_262 = arith.constant 0 : i32
      %dma_start3A_263 = tpu.memref_slice %arg8[%add3A_261, %dma_start3A_262] : memref<250x80xi32, #tpu.memory_space<vmem>> -> memref<1x80xi32, #tpu.memory_space<vmem>>
      %dma_start3A_264 = tpu.memref_squeeze %dma_start3A_263 : memref<1x80xi32, #tpu.memory_space<vmem>> -> memref<80xi32, #tpu.memory_space<vmem>>
      %dma_start3A_265 = arith.constant 0 : i32
      %dma_start3A_266 = arith.constant 0 : i32
      %dma_start3A_267 = tpu.memref_slice %arg21[%dma_start3A_265, %dma_start3A_266] : memref<10240x64xf32, #tpu.memory_space<vmem_shared>> -> memref<10240x64xf32, #tpu.memory_space<vmem_shared>>
      tpu.enqueue_indirect_dma source(%arg11 : memref<80x64xf32, #tpu.memory_space<vmem>>) target(%dma_start3A_267 : memref<10240x64xf32, #tpu.memory_space<vmem_shared>>) offsets(%dma_start3A_264 : memref<80xi32, #tpu.memory_space<vmem>>) semaphore(%arg17 : memref<!tpu.dma_semaphore, #tpu.memory_space<semaphore_mem>>) {add = true}
      %dma_wait3A_268 = arith.constant 0 : i32
      %dma_wait3A_269 = arith.constant 0 : i32
      %dma_wait3A_270 = tpu.memref_slice %arg7[%dma_wait3A_268, %dma_wait3A_269] : memref<250x80xi32, #tpu.memory_space<vmem>> -> memref<1x80xi32, #tpu.memory_space<vmem>>
      %dma_wait3A_271 = tpu.memref_squeeze %dma_wait3A_270 : memref<1x80xi32, #tpu.memory_space<vmem>> -> memref<80xi32, #tpu.memory_space<vmem>>
      %dma_wait3A_272 = arith.constant 0 : i32
      %dma_wait3A_273 = arith.constant 0 : i32
      %dma_wait3A_274 = tpu.memref_slice %arg2[%dma_wait3A_272, %dma_wait3A_273] : memref<10000x64xf32, #tpu.memory_space<hbm>> -> memref<10000x64xf32, #tpu.memory_space<hbm>>
      tpu.wait_indirect_dma semaphore(%arg18 : memref<!tpu.dma_semaphore, #tpu.memory_space<semaphore_mem>>) src(%dma_wait3A_274 : memref<10000x64xf32, #tpu.memory_space<hbm>>) dst(%arg12 : memref<80x64xf32, #tpu.memory_space<vmem>>)
      %add3A_275 = arith.constant 3 : i32
      %add3A_276 = arith.addi %mul3A_222, %add3A_275 : i32
      %dma_start3A_277 = arith.constant 0 : i32
      %dma_start3A_278 = tpu.memref_slice %arg8[%add3A_276, %dma_start3A_277] : memref<250x80xi32, #tpu.memory_space<vmem>> -> memref<1x80xi32, #tpu.memory_space<vmem>>
      %dma_start3A_279 = tpu.memref_squeeze %dma_start3A_278 : memref<1x80xi32, #tpu.memory_space<vmem>> -> memref<80xi32, #tpu.memory_space<vmem>>
      %dma_start3A_280 = arith.constant 0 : i32
      %dma_start3A_281 = arith.constant 0 : i32
      %dma_start3A_282 = tpu.memref_slice %arg21[%dma_start3A_280, %dma_start3A_281] : memref<10240x64xf32, #tpu.memory_space<vmem_shared>> -> memref<10240x64xf32, #tpu.memory_space<vmem_shared>>
      tpu.enqueue_indirect_dma source(%arg12 : memref<80x64xf32, #tpu.memory_space<vmem>>) target(%dma_start3A_282 : memref<10240x64xf32, #tpu.memory_space<vmem_shared>>) offsets(%dma_start3A_279 : memref<80xi32, #tpu.memory_space<vmem>>) semaphore(%arg18 : memref<!tpu.dma_semaphore, #tpu.memory_space<semaphore_mem>>) {add = true}
      %dma_wait3A_283 = arith.constant 0 : i32
      %dma_wait3A_284 = arith.constant 0 : i32
      %dma_wait3A_285 = tpu.memref_slice %arg7[%dma_wait3A_283, %dma_wait3A_284] : memref<250x80xi32, #tpu.memory_space<vmem>> -> memref<1x80xi32, #tpu.memory_space<vmem>>
      %dma_wait3A_286 = tpu.memref_squeeze %dma_wait3A_285 : memref<1x80xi32, #tpu.memory_space<vmem>> -> memref<80xi32, #tpu.memory_space<vmem>>
      %dma_wait3A_287 = arith.constant 0 : i32
      %dma_wait3A_288 = arith.constant 0 : i32
      %dma_wait3A_289 = tpu.memref_slice %arg2[%dma_wait3A_287, %dma_wait3A_288] : memref<10000x64xf32, #tpu.memory_space<hbm>> -> memref<10000x64xf32, #tpu.memory_space<hbm>>
      tpu.wait_indirect_dma semaphore(%arg19 : memref<!tpu.dma_semaphore, #tpu.memory_space<semaphore_mem>>) src(%dma_wait3A_289 : memref<10000x64xf32, #tpu.memory_space<hbm>>) dst(%arg13 : memref<80x64xf32, #tpu.memory_space<vmem>>)
      %add3A_290 = arith.constant 4 : i32
      %add3A_291 = arith.addi %mul3A_222, %add3A_290 : i32
      %dma_start3A_292 = arith.constant 0 : i32
      %dma_start3A_293 = tpu.memref_slice %arg8[%add3A_291, %dma_start3A_292] : memref<250x80xi32, #tpu.memory_space<vmem>> -> memref<1x80xi32, #tpu.memory_space<vmem>>
      %dma_start3A_294 = tpu.memref_squeeze %dma_start3A_293 : memref<1x80xi32, #tpu.memory_space<vmem>> -> memref<80xi32, #tpu.memory_space<vmem>>
      %dma_start3A_295 = arith.constant 0 : i32
      %dma_start3A_296 = arith.constant 0 : i32
      %dma_start3A_297 = tpu.memref_slice %arg21[%dma_start3A_295, %dma_start3A_296] : memref<10240x64xf32, #tpu.memory_space<vmem_shared>> -> memref<10240x64xf32, #tpu.memory_space<vmem_shared>>
      tpu.enqueue_indirect_dma source(%arg13 : memref<80x64xf32, #tpu.memory_space<vmem>>) target(%dma_start3A_297 : memref<10240x64xf32, #tpu.memory_space<vmem_shared>>) offsets(%dma_start3A_294 : memref<80xi32, #tpu.memory_space<vmem>>) semaphore(%arg19 : memref<!tpu.dma_semaphore, #tpu.memory_space<semaphore_mem>>) {add = true}
      %dma_wait3A_298 = arith.constant 0 : i32
      %dma_wait3A_299 = arith.constant 0 : i32
      %dma_wait3A_300 = tpu.memref_slice %arg7[%dma_wait3A_298, %dma_wait3A_299] : memref<250x80xi32, #tpu.memory_space<vmem>> -> memref<1x80xi32, #tpu.memory_space<vmem>>
      %dma_wait3A_301 = tpu.memref_squeeze %dma_wait3A_300 : memref<1x80xi32, #tpu.memory_space<vmem>> -> memref<80xi32, #tpu.memory_space<vmem>>
      %dma_wait3A_302 = arith.constant 0 : i32
      %dma_wait3A_303 = arith.constant 0 : i32
      %dma_wait3A_304 = tpu.memref_slice %arg2[%dma_wait3A_302, %dma_wait3A_303] : memref<10000x64xf32, #tpu.memory_space<hbm>> -> memref<10000x64xf32, #tpu.memory_space<hbm>>
      tpu.wait_indirect_dma semaphore(%arg20 : memref<!tpu.dma_semaphore, #tpu.memory_space<semaphore_mem>>) src(%dma_wait3A_304 : memref<10000x64xf32, #tpu.memory_space<hbm>>) dst(%arg14 : memref<80x64xf32, #tpu.memory_space<vmem>>)
      %add3A_305 = arith.constant 5 : i32
      %add3A_306 = arith.addi %mul3A_222, %add3A_305 : i32
      %dma_start3A_307 = arith.constant 0 : i32
      %dma_start3A_308 = tpu.memref_slice %arg8[%add3A_306, %dma_start3A_307] : memref<250x80xi32, #tpu.memory_space<vmem>> -> memref<1x80xi32, #tpu.memory_space<vmem>>
      %dma_start3A_309 = tpu.memref_squeeze %dma_start3A_308 : memref<1x80xi32, #tpu.memory_space<vmem>> -> memref<80xi32, #tpu.memory_space<vmem>>
      %dma_start3A_310 = arith.constant 0 : i32
      %dma_start3A_311 = arith.constant 0 : i32
      %dma_start3A_312 = tpu.memref_slice %arg21[%dma_start3A_310, %dma_start3A_311] : memref<10240x64xf32, #tpu.memory_space<vmem_shared>> -> memref<10240x64xf32, #tpu.memory_space<vmem_shared>>
      tpu.enqueue_indirect_dma source(%arg14 : memref<80x64xf32, #tpu.memory_space<vmem>>) target(%dma_start3A_312 : memref<10240x64xf32, #tpu.memory_space<vmem_shared>>) offsets(%dma_start3A_309 : memref<80xi32, #tpu.memory_space<vmem>>) semaphore(%arg20 : memref<!tpu.dma_semaphore, #tpu.memory_space<semaphore_mem>>) {add = true}
      %dma_wait3A_313 = arith.constant 0 : i32
      %dma_wait3A_314 = arith.constant 0 : i32
      %dma_wait3A_315 = tpu.memref_slice %arg7[%dma_wait3A_313, %dma_wait3A_314] : memref<250x80xi32, #tpu.memory_space<vmem>> -> memref<1x80xi32, #tpu.memory_space<vmem>>
      %dma_wait3A_316 = tpu.memref_squeeze %dma_wait3A_315 : memref<1x80xi32, #tpu.memory_space<vmem>> -> memref<80xi32, #tpu.memory_space<vmem>>
      %dma_wait3A_317 = arith.constant 0 : i32
      %dma_wait3A_318 = arith.constant 0 : i32
      %dma_wait3A_319 = tpu.memref_slice %arg2[%dma_wait3A_317, %dma_wait3A_318] : memref<10000x64xf32, #tpu.memory_space<hbm>> -> memref<10000x64xf32, #tpu.memory_space<hbm>>
      tpu.wait_indirect_dma semaphore(%arg15 : memref<!tpu.dma_semaphore, #tpu.memory_space<semaphore_mem>>) src(%dma_wait3A_319 : memref<10000x64xf32, #tpu.memory_space<hbm>>) dst(%arg9 : memref<80x64xf32, #tpu.memory_space<vmem>>)
      %add3A_320 = arith.constant 6 : i32
      %add3A_321 = arith.addi %mul3A_222, %add3A_320 : i32
      %add3A_322 = arith.constant 0 : i32
      %add3A_323 = arith.addi %add3A_321, %add3A_322 : i32
      %lt3A = arith.constant 250 : i32
      %lt3A_324 = arith.cmpi slt, %add3A_323, %lt3A : i32
      %convert_element_type3A_325 = arith.extui %lt3A_324 : i1 to i32
      %cond3A_326 = arith.constant 0 : i32
      %cond3A_327 = arith.cmpi ne, %convert_element_type3A_325, %cond3A_326 : i32
      scf.if %cond3A_327 {
        %add3A_408 = arith.constant 6 : i32
        %add3A_409 = arith.addi %mul3A_222, %add3A_408 : i32
        %add3A_410 = arith.constant 0 : i32
        %add3A_411 = arith.addi %add3A_409, %add3A_410 : i32
        %eq3A_412 = arith.constant 0 : i32
        %eq3A_413 = arith.cmpi eq, %arg0, %eq3A_412 : i32
        %convert_element_type3A_414 = arith.extui %eq3A_413 : i1 to i32
        %cond3A_415 = arith.constant 0 : i32
        %cond3A_416 = arith.cmpi ne, %convert_element_type3A_414, %cond3A_415 : i32
        scf.if %cond3A_416 {
          %dma_start3A_422 = arith.constant 0 : i32
          %dma_start3A_423 = tpu.memref_slice %arg7[%add3A_411, %dma_start3A_422] : memref<250x80xi32, #tpu.memory_space<vmem>> -> memref<1x80xi32, #tpu.memory_space<vmem>>
          %dma_start3A_424 = tpu.memref_squeeze %dma_start3A_423 : memref<1x80xi32, #tpu.memory_space<vmem>> -> memref<80xi32, #tpu.memory_space<vmem>>
          %dma_start3A_425 = arith.constant 0 : i32
          %dma_start3A_426 = arith.constant 0 : i32
          %dma_start3A_427 = tpu.memref_slice %arg2[%dma_start3A_425, %dma_start3A_426] : memref<10000x64xf32, #tpu.memory_space<hbm>> -> memref<10000x64xf32, #tpu.memory_space<hbm>>
          tpu.enqueue_indirect_dma source(%dma_start3A_427 : memref<10000x64xf32, #tpu.memory_space<hbm>>) target(%arg9 : memref<80x64xf32, #tpu.memory_space<vmem>>) offsets(%dma_start3A_424 : memref<80xi32, #tpu.memory_space<vmem>>) semaphore(%arg15 : memref<!tpu.dma_semaphore, #tpu.memory_space<semaphore_mem>>)
        } else {
        }
        %eq3A_417 = arith.constant 1 : i32
        %eq3A_418 = arith.cmpi eq, %arg0, %eq3A_417 : i32
        %convert_element_type3A_419 = arith.extui %eq3A_418 : i1 to i32
        %cond3A_420 = arith.constant 0 : i32
        %cond3A_421 = arith.cmpi ne, %convert_element_type3A_419, %cond3A_420 : i32
        scf.if %cond3A_421 {
          %dma_start3A_422 = arith.constant 0 : i32
          %dma_start3A_423 = tpu.memref_slice %arg7[%add3A_411, %dma_start3A_422] : memref<250x80xi32, #tpu.memory_space<vmem>> -> memref<1x80xi32, #tpu.memory_space<vmem>>
          %dma_start3A_424 = tpu.memref_squeeze %dma_start3A_423 : memref<1x80xi32, #tpu.memory_space<vmem>> -> memref<80xi32, #tpu.memory_space<vmem>>
          %dma_start3A_425 = arith.constant 0 : i32
          %dma_start3A_426 = arith.constant 0 : i32
          %dma_start3A_427 = tpu.memref_slice %arg3[%dma_start3A_425, %dma_start3A_426] : memref<10000x64xf32, #tpu.memory_space<hbm>> -> memref<10000x64xf32, #tpu.memory_space<hbm>>
          tpu.enqueue_indirect_dma source(%dma_start3A_427 : memref<10000x64xf32, #tpu.memory_space<hbm>>) target(%arg9 : memref<80x64xf32, #tpu.memory_space<vmem>>) offsets(%dma_start3A_424 : memref<80xi32, #tpu.memory_space<vmem>>) semaphore(%arg15 : memref<!tpu.dma_semaphore, #tpu.memory_space<semaphore_mem>>)
        } else {
        }
      } else {
      }
      %dma_wait3A_328 = arith.constant 0 : i32
      %dma_wait3A_329 = arith.constant 0 : i32
      %dma_wait3A_330 = tpu.memref_slice %arg7[%dma_wait3A_328, %dma_wait3A_329] : memref<250x80xi32, #tpu.memory_space<vmem>> -> memref<1x80xi32, #tpu.memory_space<vmem>>
      %dma_wait3A_331 = tpu.memref_squeeze %dma_wait3A_330 : memref<1x80xi32, #tpu.memory_space<vmem>> -> memref<80xi32, #tpu.memory_space<vmem>>
      %dma_wait3A_332 = arith.constant 0 : i32
      %dma_wait3A_333 = arith.constant 0 : i32
      %dma_wait3A_334 = tpu.memref_slice %arg2[%dma_wait3A_332, %dma_wait3A_333] : memref<10000x64xf32, #tpu.memory_space<hbm>> -> memref<10000x64xf32, #tpu.memory_space<hbm>>
      tpu.wait_indirect_dma semaphore(%arg16 : memref<!tpu.dma_semaphore, #tpu.memory_space<semaphore_mem>>) src(%dma_wait3A_334 : memref<10000x64xf32, #tpu.memory_space<hbm>>) dst(%arg10 : memref<80x64xf32, #tpu.memory_space<vmem>>)
      %add3A_335 = arith.constant 6 : i32
      %add3A_336 = arith.addi %mul3A_222, %add3A_335 : i32
      %add3A_337 = arith.constant 1 : i32
      %add3A_338 = arith.addi %add3A_336, %add3A_337 : i32
      %lt3A_339 = arith.constant 250 : i32
      %lt3A_340 = arith.cmpi slt, %add3A_338, %lt3A_339 : i32
      %convert_element_type3A_341 = arith.extui %lt3A_340 : i1 to i32
      %cond3A_342 = arith.constant 0 : i32
      %cond3A_343 = arith.cmpi ne, %convert_element_type3A_341, %cond3A_342 : i32
      scf.if %cond3A_343 {
        %add3A_408 = arith.constant 6 : i32
        %add3A_409 = arith.addi %mul3A_222, %add3A_408 : i32
        %add3A_410 = arith.constant 1 : i32
        %add3A_411 = arith.addi %add3A_409, %add3A_410 : i32
        %eq3A_412 = arith.constant 0 : i32
        %eq3A_413 = arith.cmpi eq, %arg0, %eq3A_412 : i32
        %convert_element_type3A_414 = arith.extui %eq3A_413 : i1 to i32
        %cond3A_415 = arith.constant 0 : i32
        %cond3A_416 = arith.cmpi ne, %convert_element_type3A_414, %cond3A_415 : i32
        scf.if %cond3A_416 {
          %dma_start3A_422 = arith.constant 0 : i32
          %dma_start3A_423 = tpu.memref_slice %arg7[%add3A_411, %dma_start3A_422] : memref<250x80xi32, #tpu.memory_space<vmem>> -> memref<1x80xi32, #tpu.memory_space<vmem>>
          %dma_start3A_424 = tpu.memref_squeeze %dma_start3A_423 : memref<1x80xi32, #tpu.memory_space<vmem>> -> memref<80xi32, #tpu.memory_space<vmem>>
          %dma_start3A_425 = arith.constant 0 : i32
          %dma_start3A_426 = arith.constant 0 : i32
          %dma_start3A_427 = tpu.memref_slice %arg2[%dma_start3A_425, %dma_start3A_426] : memref<10000x64xf32, #tpu.memory_space<hbm>> -> memref<10000x64xf32, #tpu.memory_space<hbm>>
          tpu.enqueue_indirect_dma source(%dma_start3A_427 : memref<10000x64xf32, #tpu.memory_space<hbm>>) target(%arg10 : memref<80x64xf32, #tpu.memory_space<vmem>>) offsets(%dma_start3A_424 : memref<80xi32, #tpu.memory_space<vmem>>) semaphore(%arg16 : memref<!tpu.dma_semaphore, #tpu.memory_space<semaphore_mem>>)
        } else {
        }
        %eq3A_417 = arith.constant 1 : i32
        %eq3A_418 = arith.cmpi eq, %arg0, %eq3A_417 : i32
        %convert_element_type3A_419 = arith.extui %eq3A_418 : i1 to i32
        %cond3A_420 = arith.constant 0 : i32
        %cond3A_421 = arith.cmpi ne, %convert_element_type3A_419, %cond3A_420 : i32
        scf.if %cond3A_421 {
          %dma_start3A_422 = arith.constant 0 : i32
          %dma_start3A_423 = tpu.memref_slice %arg7[%add3A_411, %dma_start3A_422] : memref<250x80xi32, #tpu.memory_space<vmem>> -> memref<1x80xi32, #tpu.memory_space<vmem>>
          %dma_start3A_424 = tpu.memref_squeeze %dma_start3A_423 : memref<1x80xi32, #tpu.memory_space<vmem>> -> memref<80xi32, #tpu.memory_space<vmem>>
          %dma_start3A_425 = arith.constant 0 : i32
          %dma_start3A_426 = arith.constant 0 : i32
          %dma_start3A_427 = tpu.memref_slice %arg3[%dma_start3A_425, %dma_start3A_426] : memref<10000x64xf32, #tpu.memory_space<hbm>> -> memref<10000x64xf32, #tpu.memory_space<hbm>>
          tpu.enqueue_indirect_dma source(%dma_start3A_427 : memref<10000x64xf32, #tpu.memory_space<hbm>>) target(%arg10 : memref<80x64xf32, #tpu.memory_space<vmem>>) offsets(%dma_start3A_424 : memref<80xi32, #tpu.memory_space<vmem>>) semaphore(%arg16 : memref<!tpu.dma_semaphore, #tpu.memory_space<semaphore_mem>>)
        } else {
        }
      } else {
      }
      %dma_wait3A_344 = arith.constant 0 : i32
      %dma_wait3A_345 = arith.constant 0 : i32
      %dma_wait3A_346 = tpu.memref_slice %arg7[%dma_wait3A_344, %dma_wait3A_345] : memref<250x80xi32, #tpu.memory_space<vmem>> -> memref<1x80xi32, #tpu.memory_space<vmem>>
      %dma_wait3A_347 = tpu.memref_squeeze %dma_wait3A_346 : memref<1x80xi32, #tpu.memory_space<vmem>> -> memref<80xi32, #tpu.memory_space<vmem>>
      %dma_wait3A_348 = arith.constant 0 : i32
      %dma_wait3A_349 = arith.constant 0 : i32
      %dma_wait3A_350 = tpu.memref_slice %arg2[%dma_wait3A_348, %dma_wait3A_349] : memref<10000x64xf32, #tpu.memory_space<hbm>> -> memref<10000x64xf32, #tpu.memory_space<hbm>>
      tpu.wait_indirect_dma semaphore(%arg17 : memref<!tpu.dma_semaphore, #tpu.memory_space<semaphore_mem>>) src(%dma_wait3A_350 : memref<10000x64xf32, #tpu.memory_space<hbm>>) dst(%arg11 : memref<80x64xf32, #tpu.memory_space<vmem>>)
      %add3A_351 = arith.constant 6 : i32
      %add3A_352 = arith.addi %mul3A_222, %add3A_351 : i32
      %add3A_353 = arith.constant 2 : i32
      %add3A_354 = arith.addi %add3A_352, %add3A_353 : i32
      %lt3A_355 = arith.constant 250 : i32
      %lt3A_356 = arith.cmpi slt, %add3A_354, %lt3A_355 : i32
      %convert_element_type3A_357 = arith.extui %lt3A_356 : i1 to i32
      %cond3A_358 = arith.constant 0 : i32
      %cond3A_359 = arith.cmpi ne, %convert_element_type3A_357, %cond3A_358 : i32
      scf.if %cond3A_359 {
        %add3A_408 = arith.constant 6 : i32
        %add3A_409 = arith.addi %mul3A_222, %add3A_408 : i32
        %add3A_410 = arith.constant 2 : i32
        %add3A_411 = arith.addi %add3A_409, %add3A_410 : i32
        %eq3A_412 = arith.constant 0 : i32
        %eq3A_413 = arith.cmpi eq, %arg0, %eq3A_412 : i32
        %convert_element_type3A_414 = arith.extui %eq3A_413 : i1 to i32
        %cond3A_415 = arith.constant 0 : i32
        %cond3A_416 = arith.cmpi ne, %convert_element_type3A_414, %cond3A_415 : i32
        scf.if %cond3A_416 {
          %dma_start3A_422 = arith.constant 0 : i32
          %dma_start3A_423 = tpu.memref_slice %arg7[%add3A_411, %dma_start3A_422] : memref<250x80xi32, #tpu.memory_space<vmem>> -> memref<1x80xi32, #tpu.memory_space<vmem>>
          %dma_start3A_424 = tpu.memref_squeeze %dma_start3A_423 : memref<1x80xi32, #tpu.memory_space<vmem>> -> memref<80xi32, #tpu.memory_space<vmem>>
          %dma_start3A_425 = arith.constant 0 : i32
          %dma_start3A_426 = arith.constant 0 : i32
          %dma_start3A_427 = tpu.memref_slice %arg2[%dma_start3A_425, %dma_start3A_426] : memref<10000x64xf32, #tpu.memory_space<hbm>> -> memref<10000x64xf32, #tpu.memory_space<hbm>>
          tpu.enqueue_indirect_dma source(%dma_start3A_427 : memref<10000x64xf32, #tpu.memory_space<hbm>>) target(%arg11 : memref<80x64xf32, #tpu.memory_space<vmem>>) offsets(%dma_start3A_424 : memref<80xi32, #tpu.memory_space<vmem>>) semaphore(%arg17 : memref<!tpu.dma_semaphore, #tpu.memory_space<semaphore_mem>>)
        } else {
        }
        %eq3A_417 = arith.constant 1 : i32
        %eq3A_418 = arith.cmpi eq, %arg0, %eq3A_417 : i32
        %convert_element_type3A_419 = arith.extui %eq3A_418 : i1 to i32
        %cond3A_420 = arith.constant 0 : i32
        %cond3A_421 = arith.cmpi ne, %convert_element_type3A_419, %cond3A_420 : i32
        scf.if %cond3A_421 {
          %dma_start3A_422 = arith.constant 0 : i32
          %dma_start3A_423 = tpu.memref_slice %arg7[%add3A_411, %dma_start3A_422] : memref<250x80xi32, #tpu.memory_space<vmem>> -> memref<1x80xi32, #tpu.memory_space<vmem>>
          %dma_start3A_424 = tpu.memref_squeeze %dma_start3A_423 : memref<1x80xi32, #tpu.memory_space<vmem>> -> memref<80xi32, #tpu.memory_space<vmem>>
          %dma_start3A_425 = arith.constant 0 : i32
          %dma_start3A_426 = arith.constant 0 : i32
          %dma_start3A_427 = tpu.memref_slice %arg3[%dma_start3A_425, %dma_start3A_426] : memref<10000x64xf32, #tpu.memory_space<hbm>> -> memref<10000x64xf32, #tpu.memory_space<hbm>>
          tpu.enqueue_indirect_dma source(%dma_start3A_427 : memref<10000x64xf32, #tpu.memory_space<hbm>>) target(%arg11 : memref<80x64xf32, #tpu.memory_space<vmem>>) offsets(%dma_start3A_424 : memref<80xi32, #tpu.memory_space<vmem>>) semaphore(%arg17 : memref<!tpu.dma_semaphore, #tpu.memory_space<semaphore_mem>>)
        } else {
        }
      } else {
      }
      %dma_wait3A_360 = arith.constant 0 : i32
      %dma_wait3A_361 = arith.constant 0 : i32
      %dma_wait3A_362 = tpu.memref_slice %arg7[%dma_wait3A_360, %dma_wait3A_361] : memref<250x80xi32, #tpu.memory_space<vmem>> -> memref<1x80xi32, #tpu.memory_space<vmem>>
      %dma_wait3A_363 = tpu.memref_squeeze %dma_wait3A_362 : memref<1x80xi32, #tpu.memory_space<vmem>> -> memref<80xi32, #tpu.memory_space<vmem>>
      %dma_wait3A_364 = arith.constant 0 : i32
      %dma_wait3A_365 = arith.constant 0 : i32
      %dma_wait3A_366 = tpu.memref_slice %arg2[%dma_wait3A_364, %dma_wait3A_365] : memref<10000x64xf32, #tpu.memory_space<hbm>> -> memref<10000x64xf32, #tpu.memory_space<hbm>>
      tpu.wait_indirect_dma semaphore(%arg18 : memref<!tpu.dma_semaphore, #tpu.memory_space<semaphore_mem>>) src(%dma_wait3A_366 : memref<10000x64xf32, #tpu.memory_space<hbm>>) dst(%arg12 : memref<80x64xf32, #tpu.memory_space<vmem>>)
      %add3A_367 = arith.constant 6 : i32
      %add3A_368 = arith.addi %mul3A_222, %add3A_367 : i32
      %add3A_369 = arith.constant 3 : i32
      %add3A_370 = arith.addi %add3A_368, %add3A_369 : i32
      %lt3A_371 = arith.constant 250 : i32
      %lt3A_372 = arith.cmpi slt, %add3A_370, %lt3A_371 : i32
      %convert_element_type3A_373 = arith.extui %lt3A_372 : i1 to i32
      %cond3A_374 = arith.constant 0 : i32
      %cond3A_375 = arith.cmpi ne, %convert_element_type3A_373, %cond3A_374 : i32
      scf.if %cond3A_375 {
        %add3A_408 = arith.constant 6 : i32
        %add3A_409 = arith.addi %mul3A_222, %add3A_408 : i32
        %add3A_410 = arith.constant 3 : i32
        %add3A_411 = arith.addi %add3A_409, %add3A_410 : i32
        %eq3A_412 = arith.constant 0 : i32
        %eq3A_413 = arith.cmpi eq, %arg0, %eq3A_412 : i32
        %convert_element_type3A_414 = arith.extui %eq3A_413 : i1 to i32
        %cond3A_415 = arith.constant 0 : i32
        %cond3A_416 = arith.cmpi ne, %convert_element_type3A_414, %cond3A_415 : i32
        scf.if %cond3A_416 {
          %dma_start3A_422 = arith.constant 0 : i32
          %dma_start3A_423 = tpu.memref_slice %arg7[%add3A_411, %dma_start3A_422] : memref<250x80xi32, #tpu.memory_space<vmem>> -> memref<1x80xi32, #tpu.memory_space<vmem>>
          %dma_start3A_424 = tpu.memref_squeeze %dma_start3A_423 : memref<1x80xi32, #tpu.memory_space<vmem>> -> memref<80xi32, #tpu.memory_space<vmem>>
          %dma_start3A_425 = arith.constant 0 : i32
          %dma_start3A_426 = arith.constant 0 : i32
          %dma_start3A_427 = tpu.memref_slice %arg2[%dma_start3A_425, %dma_start3A_426] : memref<10000x64xf32, #tpu.memory_space<hbm>> -> memref<10000x64xf32, #tpu.memory_space<hbm>>
          tpu.enqueue_indirect_dma source(%dma_start3A_427 : memref<10000x64xf32, #tpu.memory_space<hbm>>) target(%arg12 : memref<80x64xf32, #tpu.memory_space<vmem>>) offsets(%dma_start3A_424 : memref<80xi32, #tpu.memory_space<vmem>>) semaphore(%arg18 : memref<!tpu.dma_semaphore, #tpu.memory_space<semaphore_mem>>)
        } else {
        }
        %eq3A_417 = arith.constant 1 : i32
        %eq3A_418 = arith.cmpi eq, %arg0, %eq3A_417 : i32
        %convert_element_type3A_419 = arith.extui %eq3A_418 : i1 to i32
        %cond3A_420 = arith.constant 0 : i32
        %cond3A_421 = arith.cmpi ne, %convert_element_type3A_419, %cond3A_420 : i32
        scf.if %cond3A_421 {
          %dma_start3A_422 = arith.constant 0 : i32
          %dma_start3A_423 = tpu.memref_slice %arg7[%add3A_411, %dma_start3A_422] : memref<250x80xi32, #tpu.memory_space<vmem>> -> memref<1x80xi32, #tpu.memory_space<vmem>>
          %dma_start3A_424 = tpu.memref_squeeze %dma_start3A_423 : memref<1x80xi32, #tpu.memory_space<vmem>> -> memref<80xi32, #tpu.memory_space<vmem>>
          %dma_start3A_425 = arith.constant 0 : i32
          %dma_start3A_426 = arith.constant 0 : i32
          %dma_start3A_427 = tpu.memref_slice %arg3[%dma_start3A_425, %dma_start3A_426] : memref<10000x64xf32, #tpu.memory_space<hbm>> -> memref<10000x64xf32, #tpu.memory_space<hbm>>
          tpu.enqueue_indirect_dma source(%dma_start3A_427 : memref<10000x64xf32, #tpu.memory_space<hbm>>) target(%arg12 : memref<80x64xf32, #tpu.memory_space<vmem>>) offsets(%dma_start3A_424 : memref<80xi32, #tpu.memory_space<vmem>>) semaphore(%arg18 : memref<!tpu.dma_semaphore, #tpu.memory_space<semaphore_mem>>)
        } else {
        }
      } else {
      }
      %dma_wait3A_376 = arith.constant 0 : i32
      %dma_wait3A_377 = arith.constant 0 : i32
      %dma_wait3A_378 = tpu.memref_slice %arg7[%dma_wait3A_376, %dma_wait3A_377] : memref<250x80xi32, #tpu.memory_space<vmem>> -> memref<1x80xi32, #tpu.memory_space<vmem>>
      %dma_wait3A_379 = tpu.memref_squeeze %dma_wait3A_378 : memref<1x80xi32, #tpu.memory_space<vmem>> -> memref<80xi32, #tpu.memory_space<vmem>>
      %dma_wait3A_380 = arith.constant 0 : i32
      %dma_wait3A_381 = arith.constant 0 : i32
      %dma_wait3A_382 = tpu.memref_slice %arg2[%dma_wait3A_380, %dma_wait3A_381] : memref<10000x64xf32, #tpu.memory_space<hbm>> -> memref<10000x64xf32, #tpu.memory_space<hbm>>
      tpu.wait_indirect_dma semaphore(%arg19 : memref<!tpu.dma_semaphore, #tpu.memory_space<semaphore_mem>>) src(%dma_wait3A_382 : memref<10000x64xf32, #tpu.memory_space<hbm>>) dst(%arg13 : memref<80x64xf32, #tpu.memory_space<vmem>>)
      %add3A_383 = arith.constant 6 : i32
      %add3A_384 = arith.addi %mul3A_222, %add3A_383 : i32
      %add3A_385 = arith.constant 4 : i32
      %add3A_386 = arith.addi %add3A_384, %add3A_385 : i32
      %lt3A_387 = arith.constant 250 : i32
      %lt3A_388 = arith.cmpi slt, %add3A_386, %lt3A_387 : i32
      %convert_element_type3A_389 = arith.extui %lt3A_388 : i1 to i32
      %cond3A_390 = arith.constant 0 : i32
      %cond3A_391 = arith.cmpi ne, %convert_element_type3A_389, %cond3A_390 : i32
      scf.if %cond3A_391 {
        %add3A_408 = arith.constant 6 : i32
        %add3A_409 = arith.addi %mul3A_222, %add3A_408 : i32
        %add3A_410 = arith.constant 4 : i32
        %add3A_411 = arith.addi %add3A_409, %add3A_410 : i32
        %eq3A_412 = arith.constant 0 : i32
        %eq3A_413 = arith.cmpi eq, %arg0, %eq3A_412 : i32
        %convert_element_type3A_414 = arith.extui %eq3A_413 : i1 to i32
        %cond3A_415 = arith.constant 0 : i32
        %cond3A_416 = arith.cmpi ne, %convert_element_type3A_414, %cond3A_415 : i32
        scf.if %cond3A_416 {
          %dma_start3A_422 = arith.constant 0 : i32
          %dma_start3A_423 = tpu.memref_slice %arg7[%add3A_411, %dma_start3A_422] : memref<250x80xi32, #tpu.memory_space<vmem>> -> memref<1x80xi32, #tpu.memory_space<vmem>>
          %dma_start3A_424 = tpu.memref_squeeze %dma_start3A_423 : memref<1x80xi32, #tpu.memory_space<vmem>> -> memref<80xi32, #tpu.memory_space<vmem>>
          %dma_start3A_425 = arith.constant 0 : i32
          %dma_start3A_426 = arith.constant 0 : i32
          %dma_start3A_427 = tpu.memref_slice %arg2[%dma_start3A_425, %dma_start3A_426] : memref<10000x64xf32, #tpu.memory_space<hbm>> -> memref<10000x64xf32, #tpu.memory_space<hbm>>
          tpu.enqueue_indirect_dma source(%dma_start3A_427 : memref<10000x64xf32, #tpu.memory_space<hbm>>) target(%arg13 : memref<80x64xf32, #tpu.memory_space<vmem>>) offsets(%dma_start3A_424 : memref<80xi32, #tpu.memory_space<vmem>>) semaphore(%arg19 : memref<!tpu.dma_semaphore, #tpu.memory_space<semaphore_mem>>)
        } else {
        }
        %eq3A_417 = arith.constant 1 : i32
        %eq3A_418 = arith.cmpi eq, %arg0, %eq3A_417 : i32
        %convert_element_type3A_419 = arith.extui %eq3A_418 : i1 to i32
        %cond3A_420 = arith.constant 0 : i32
        %cond3A_421 = arith.cmpi ne, %convert_element_type3A_419, %cond3A_420 : i32
        scf.if %cond3A_421 {
          %dma_start3A_422 = arith.constant 0 : i32
          %dma_start3A_423 = tpu.memref_slice %arg7[%add3A_411, %dma_start3A_422] : memref<250x80xi32, #tpu.memory_space<vmem>> -> memref<1x80xi32, #tpu.memory_space<vmem>>
          %dma_start3A_424 = tpu.memref_squeeze %dma_start3A_423 : memref<1x80xi32, #tpu.memory_space<vmem>> -> memref<80xi32, #tpu.memory_space<vmem>>
          %dma_start3A_425 = arith.constant 0 : i32
          %dma_start3A_426 = arith.constant 0 : i32
          %dma_start3A_427 = tpu.memref_slice %arg3[%dma_start3A_425, %dma_start3A_426] : memref<10000x64xf32, #tpu.memory_space<hbm>> -> memref<10000x64xf32, #tpu.memory_space<hbm>>
          tpu.enqueue_indirect_dma source(%dma_start3A_427 : memref<10000x64xf32, #tpu.memory_space<hbm>>) target(%arg13 : memref<80x64xf32, #tpu.memory_space<vmem>>) offsets(%dma_start3A_424 : memref<80xi32, #tpu.memory_space<vmem>>) semaphore(%arg19 : memref<!tpu.dma_semaphore, #tpu.memory_space<semaphore_mem>>)
        } else {
        }
      } else {
      }
      %dma_wait3A_392 = arith.constant 0 : i32
      %dma_wait3A_393 = arith.constant 0 : i32
      %dma_wait3A_394 = tpu.memref_slice %arg7[%dma_wait3A_392, %dma_wait3A_393] : memref<250x80xi32, #tpu.memory_space<vmem>> -> memref<1x80xi32, #tpu.memory_space<vmem>>
      %dma_wait3A_395 = tpu.memref_squeeze %dma_wait3A_394 : memref<1x80xi32, #tpu.memory_space<vmem>> -> memref<80xi32, #tpu.memory_space<vmem>>
      %dma_wait3A_396 = arith.constant 0 : i32
      %dma_wait3A_397 = arith.constant 0 : i32
      %dma_wait3A_398 = tpu.memref_slice %arg2[%dma_wait3A_396, %dma_wait3A_397] : memref<10000x64xf32, #tpu.memory_space<hbm>> -> memref<10000x64xf32, #tpu.memory_space<hbm>>
      tpu.wait_indirect_dma semaphore(%arg20 : memref<!tpu.dma_semaphore, #tpu.memory_space<semaphore_mem>>) src(%dma_wait3A_398 : memref<10000x64xf32, #tpu.memory_space<hbm>>) dst(%arg14 : memref<80x64xf32, #tpu.memory_space<vmem>>)
      %add3A_399 = arith.constant 6 : i32
      %add3A_400 = arith.addi %mul3A_222, %add3A_399 : i32
      %add3A_401 = arith.constant 5 : i32
      %add3A_402 = arith.addi %add3A_400, %add3A_401 : i32
      %lt3A_403 = arith.constant 250 : i32
      %lt3A_404 = arith.cmpi slt, %add3A_402, %lt3A_403 : i32
      %convert_element_type3A_405 = arith.extui %lt3A_404 : i1 to i32
      %cond3A_406 = arith.constant 0 : i32
      %cond3A_407 = arith.cmpi ne, %convert_element_type3A_405, %cond3A_406 : i32
      scf.if %cond3A_407 {
        %add3A_408 = arith.constant 6 : i32
        %add3A_409 = arith.addi %mul3A_222, %add3A_408 : i32
        %add3A_410 = arith.constant 5 : i32
        %add3A_411 = arith.addi %add3A_409, %add3A_410 : i32
        %eq3A_412 = arith.constant 0 : i32
        %eq3A_413 = arith.cmpi eq, %arg0, %eq3A_412 : i32
        %convert_element_type3A_414 = arith.extui %eq3A_413 : i1 to i32
        %cond3A_415 = arith.constant 0 : i32
        %cond3A_416 = arith.cmpi ne, %convert_element_type3A_414, %cond3A_415 : i32
        scf.if %cond3A_416 {
          %dma_start3A_422 = arith.constant 0 : i32
          %dma_start3A_423 = tpu.memref_slice %arg7[%add3A_411, %dma_start3A_422] : memref<250x80xi32, #tpu.memory_space<vmem>> -> memref<1x80xi32, #tpu.memory_space<vmem>>
          %dma_start3A_424 = tpu.memref_squeeze %dma_start3A_423 : memref<1x80xi32, #tpu.memory_space<vmem>> -> memref<80xi32, #tpu.memory_space<vmem>>
          %dma_start3A_425 = arith.constant 0 : i32
          %dma_start3A_426 = arith.constant 0 : i32
          %dma_start3A_427 = tpu.memref_slice %arg2[%dma_start3A_425, %dma_start3A_426] : memref<10000x64xf32, #tpu.memory_space<hbm>> -> memref<10000x64xf32, #tpu.memory_space<hbm>>
          tpu.enqueue_indirect_dma source(%dma_start3A_427 : memref<10000x64xf32, #tpu.memory_space<hbm>>) target(%arg14 : memref<80x64xf32, #tpu.memory_space<vmem>>) offsets(%dma_start3A_424 : memref<80xi32, #tpu.memory_space<vmem>>) semaphore(%arg20 : memref<!tpu.dma_semaphore, #tpu.memory_space<semaphore_mem>>)
        } else {
        }
        %eq3A_417 = arith.constant 1 : i32
        %eq3A_418 = arith.cmpi eq, %arg0, %eq3A_417 : i32
        %convert_element_type3A_419 = arith.extui %eq3A_418 : i1 to i32
        %cond3A_420 = arith.constant 0 : i32
        %cond3A_421 = arith.cmpi ne, %convert_element_type3A_419, %cond3A_420 : i32
        scf.if %cond3A_421 {
          %dma_start3A_422 = arith.constant 0 : i32
          %dma_start3A_423 = tpu.memref_slice %arg7[%add3A_411, %dma_start3A_422] : memref<250x80xi32, #tpu.memory_space<vmem>> -> memref<1x80xi32, #tpu.memory_space<vmem>>
          %dma_start3A_424 = tpu.memref_squeeze %dma_start3A_423 : memref<1x80xi32, #tpu.memory_space<vmem>> -> memref<80xi32, #tpu.memory_space<vmem>>
          %dma_start3A_425 = arith.constant 0 : i32
          %dma_start3A_426 = arith.constant 0 : i32
          %dma_start3A_427 = tpu.memref_slice %arg3[%dma_start3A_425, %dma_start3A_426] : memref<10000x64xf32, #tpu.memory_space<hbm>> -> memref<10000x64xf32, #tpu.memory_space<hbm>>
          tpu.enqueue_indirect_dma source(%dma_start3A_427 : memref<10000x64xf32, #tpu.memory_space<hbm>>) target(%arg14 : memref<80x64xf32, #tpu.memory_space<vmem>>) offsets(%dma_start3A_424 : memref<80xi32, #tpu.memory_space<vmem>>) semaphore(%arg20 : memref<!tpu.dma_semaphore, #tpu.memory_space<semaphore_mem>>)
        } else {
        }
      } else {
      }
    }
    %scan3A_126 = arith.constant 41 : i32
    %dma_wait3A_127 = arith.constant 0 : i32
    %dma_wait3A_128 = arith.constant 0 : i32
    %dma_wait3A_129 = tpu.memref_slice %arg7[%dma_wait3A_127, %dma_wait3A_128] : memref<250x80xi32, #tpu.memory_space<vmem>> -> memref<1x80xi32, #tpu.memory_space<vmem>>
    %dma_wait3A_130 = tpu.memref_squeeze %dma_wait3A_129 : memref<1x80xi32, #tpu.memory_space<vmem>> -> memref<80xi32, #tpu.memory_space<vmem>>
    %dma_wait3A_131 = arith.constant 0 : i32
    %dma_wait3A_132 = arith.constant 0 : i32
    %dma_wait3A_133 = tpu.memref_slice %arg2[%dma_wait3A_131, %dma_wait3A_132] : memref<10000x64xf32, #tpu.memory_space<hbm>> -> memref<10000x64xf32, #tpu.memory_space<hbm>>
    tpu.wait_indirect_dma semaphore(%arg15 : memref<!tpu.dma_semaphore, #tpu.memory_space<semaphore_mem>>) src(%dma_wait3A_133 : memref<10000x64xf32, #tpu.memory_space<hbm>>) dst(%arg9 : memref<80x64xf32, #tpu.memory_space<vmem>>)
    %dma_start3A_134 = arith.constant 246 : i32
    %dma_start3A_135 = arith.constant 0 : i32
    %dma_start3A_136 = tpu.memref_slice %arg8[%dma_start3A_134, %dma_start3A_135] : memref<250x80xi32, #tpu.memory_space<vmem>> -> memref<1x80xi32, #tpu.memory_space<vmem>>
    %dma_start3A_137 = tpu.memref_squeeze %dma_start3A_136 : memref<1x80xi32, #tpu.memory_space<vmem>> -> memref<80xi32, #tpu.memory_space<vmem>>
    %dma_start3A_138 = arith.constant 0 : i32
    %dma_start3A_139 = arith.constant 0 : i32
    %dma_start3A_140 = tpu.memref_slice %arg21[%dma_start3A_138, %dma_start3A_139] : memref<10240x64xf32, #tpu.memory_space<vmem_shared>> -> memref<10240x64xf32, #tpu.memory_space<vmem_shared>>
    tpu.enqueue_indirect_dma source(%arg9 : memref<80x64xf32, #tpu.memory_space<vmem>>) target(%dma_start3A_140 : memref<10240x64xf32, #tpu.memory_space<vmem_shared>>) offsets(%dma_start3A_137 : memref<80xi32, #tpu.memory_space<vmem>>) semaphore(%arg15 : memref<!tpu.dma_semaphore, #tpu.memory_space<semaphore_mem>>) {add = true}
    %dma_wait3A_141 = arith.constant 0 : i32
    %dma_wait3A_142 = arith.constant 0 : i32
    %dma_wait3A_143 = tpu.memref_slice %arg7[%dma_wait3A_141, %dma_wait3A_142] : memref<250x80xi32, #tpu.memory_space<vmem>> -> memref<1x80xi32, #tpu.memory_space<vmem>>
    %dma_wait3A_144 = tpu.memref_squeeze %dma_wait3A_143 : memref<1x80xi32, #tpu.memory_space<vmem>> -> memref<80xi32, #tpu.memory_space<vmem>>
    %dma_wait3A_145 = arith.constant 0 : i32
    %dma_wait3A_146 = arith.constant 0 : i32
    %dma_wait3A_147 = tpu.memref_slice %arg2[%dma_wait3A_145, %dma_wait3A_146] : memref<10000x64xf32, #tpu.memory_space<hbm>> -> memref<10000x64xf32, #tpu.memory_space<hbm>>
    tpu.wait_indirect_dma semaphore(%arg15 : memref<!tpu.dma_semaphore, #tpu.memory_space<semaphore_mem>>) src(%dma_wait3A_147 : memref<10000x64xf32, #tpu.memory_space<hbm>>) dst(%arg9 : memref<80x64xf32, #tpu.memory_space<vmem>>)
    %dma_wait3A_148 = arith.constant 0 : i32
    %dma_wait3A_149 = arith.constant 0 : i32
    %dma_wait3A_150 = tpu.memref_slice %arg7[%dma_wait3A_148, %dma_wait3A_149] : memref<250x80xi32, #tpu.memory_space<vmem>> -> memref<1x80xi32, #tpu.memory_space<vmem>>
    %dma_wait3A_151 = tpu.memref_squeeze %dma_wait3A_150 : memref<1x80xi32, #tpu.memory_space<vmem>> -> memref<80xi32, #tpu.memory_space<vmem>>
    %dma_wait3A_152 = arith.constant 0 : i32
    %dma_wait3A_153 = arith.constant 0 : i32
    %dma_wait3A_154 = tpu.memref_slice %arg2[%dma_wait3A_152, %dma_wait3A_153] : memref<10000x64xf32, #tpu.memory_space<hbm>> -> memref<10000x64xf32, #tpu.memory_space<hbm>>
    tpu.wait_indirect_dma semaphore(%arg16 : memref<!tpu.dma_semaphore, #tpu.memory_space<semaphore_mem>>) src(%dma_wait3A_154 : memref<10000x64xf32, #tpu.memory_space<hbm>>) dst(%arg10 : memref<80x64xf32, #tpu.memory_space<vmem>>)
    %dma_start3A_155 = arith.constant 247 : i32
    %dma_start3A_156 = arith.constant 0 : i32
    %dma_start3A_157 = tpu.memref_slice %arg8[%dma_start3A_155, %dma_start3A_156] : memref<250x80xi32, #tpu.memory_space<vmem>> -> memref<1x80xi32, #tpu.memory_space<vmem>>
    %dma_start3A_158 = tpu.memref_squeeze %dma_start3A_157 : memref<1x80xi32, #tpu.memory_space<vmem>> -> memref<80xi32, #tpu.memory_space<vmem>>
    %dma_start3A_159 = arith.constant 0 : i32
    %dma_start3A_160 = arith.constant 0 : i32
    %dma_start3A_161 = tpu.memref_slice %arg21[%dma_start3A_159, %dma_start3A_160] : memref<10240x64xf32, #tpu.memory_space<vmem_shared>> -> memref<10240x64xf32, #tpu.memory_space<vmem_shared>>
    tpu.enqueue_indirect_dma source(%arg10 : memref<80x64xf32, #tpu.memory_space<vmem>>) target(%dma_start3A_161 : memref<10240x64xf32, #tpu.memory_space<vmem_shared>>) offsets(%dma_start3A_158 : memref<80xi32, #tpu.memory_space<vmem>>) semaphore(%arg16 : memref<!tpu.dma_semaphore, #tpu.memory_space<semaphore_mem>>) {add = true}
    %dma_wait3A_162 = arith.constant 0 : i32
    %dma_wait3A_163 = arith.constant 0 : i32
    %dma_wait3A_164 = tpu.memref_slice %arg7[%dma_wait3A_162, %dma_wait3A_163] : memref<250x80xi32, #tpu.memory_space<vmem>> -> memref<1x80xi32, #tpu.memory_space<vmem>>
    %dma_wait3A_165 = tpu.memref_squeeze %dma_wait3A_164 : memref<1x80xi32, #tpu.memory_space<vmem>> -> memref<80xi32, #tpu.memory_space<vmem>>
    %dma_wait3A_166 = arith.constant 0 : i32
    %dma_wait3A_167 = arith.constant 0 : i32
    %dma_wait3A_168 = tpu.memref_slice %arg2[%dma_wait3A_166, %dma_wait3A_167] : memref<10000x64xf32, #tpu.memory_space<hbm>> -> memref<10000x64xf32, #tpu.memory_space<hbm>>
    tpu.wait_indirect_dma semaphore(%arg16 : memref<!tpu.dma_semaphore, #tpu.memory_space<semaphore_mem>>) src(%dma_wait3A_168 : memref<10000x64xf32, #tpu.memory_space<hbm>>) dst(%arg10 : memref<80x64xf32, #tpu.memory_space<vmem>>)
    %dma_wait3A_169 = arith.constant 0 : i32
    %dma_wait3A_170 = arith.constant 0 : i32
    %dma_wait3A_171 = tpu.memref_slice %arg7[%dma_wait3A_169, %dma_wait3A_170] : memref<250x80xi32, #tpu.memory_space<vmem>> -> memref<1x80xi32, #tpu.memory_space<vmem>>
    %dma_wait3A_172 = tpu.memref_squeeze %dma_wait3A_171 : memref<1x80xi32, #tpu.memory_space<vmem>> -> memref<80xi32, #tpu.memory_space<vmem>>
    %dma_wait3A_173 = arith.constant 0 : i32
    %dma_wait3A_174 = arith.constant 0 : i32
    %dma_wait3A_175 = tpu.memref_slice %arg2[%dma_wait3A_173, %dma_wait3A_174] : memref<10000x64xf32, #tpu.memory_space<hbm>> -> memref<10000x64xf32, #tpu.memory_space<hbm>>
    tpu.wait_indirect_dma semaphore(%arg17 : memref<!tpu.dma_semaphore, #tpu.memory_space<semaphore_mem>>) src(%dma_wait3A_175 : memref<10000x64xf32, #tpu.memory_space<hbm>>) dst(%arg11 : memref<80x64xf32, #tpu.memory_space<vmem>>)
    %dma_start3A_176 = arith.constant 248 : i32
    %dma_start3A_177 = arith.constant 0 : i32
    %dma_start3A_178 = tpu.memref_slice %arg8[%dma_start3A_176, %dma_start3A_177] : memref<250x80xi32, #tpu.memory_space<vmem>> -> memref<1x80xi32, #tpu.memory_space<vmem>>
    %dma_start3A_179 = tpu.memref_squeeze %dma_start3A_178 : memref<1x80xi32, #tpu.memory_space<vmem>> -> memref<80xi32, #tpu.memory_space<vmem>>
    %dma_start3A_180 = arith.constant 0 : i32
    %dma_start3A_181 = arith.constant 0 : i32
    %dma_start3A_182 = tpu.memref_slice %arg21[%dma_start3A_180, %dma_start3A_181] : memref<10240x64xf32, #tpu.memory_space<vmem_shared>> -> memref<10240x64xf32, #tpu.memory_space<vmem_shared>>
    tpu.enqueue_indirect_dma source(%arg11 : memref<80x64xf32, #tpu.memory_space<vmem>>) target(%dma_start3A_182 : memref<10240x64xf32, #tpu.memory_space<vmem_shared>>) offsets(%dma_start3A_179 : memref<80xi32, #tpu.memory_space<vmem>>) semaphore(%arg17 : memref<!tpu.dma_semaphore, #tpu.memory_space<semaphore_mem>>) {add = true}
    %dma_wait3A_183 = arith.constant 0 : i32
    %dma_wait3A_184 = arith.constant 0 : i32
    %dma_wait3A_185 = tpu.memref_slice %arg7[%dma_wait3A_183, %dma_wait3A_184] : memref<250x80xi32, #tpu.memory_space<vmem>> -> memref<1x80xi32, #tpu.memory_space<vmem>>
    %dma_wait3A_186 = tpu.memref_squeeze %dma_wait3A_185 : memref<1x80xi32, #tpu.memory_space<vmem>> -> memref<80xi32, #tpu.memory_space<vmem>>
    %dma_wait3A_187 = arith.constant 0 : i32
    %dma_wait3A_188 = arith.constant 0 : i32
    %dma_wait3A_189 = tpu.memref_slice %arg2[%dma_wait3A_187, %dma_wait3A_188] : memref<10000x64xf32, #tpu.memory_space<hbm>> -> memref<10000x64xf32, #tpu.memory_space<hbm>>
    tpu.wait_indirect_dma semaphore(%arg17 : memref<!tpu.dma_semaphore, #tpu.memory_space<semaphore_mem>>) src(%dma_wait3A_189 : memref<10000x64xf32, #tpu.memory_space<hbm>>) dst(%arg11 : memref<80x64xf32, #tpu.memory_space<vmem>>)
    %dma_wait3A_190 = arith.constant 0 : i32
    %dma_wait3A_191 = arith.constant 0 : i32
    %dma_wait3A_192 = tpu.memref_slice %arg7[%dma_wait3A_190, %dma_wait3A_191] : memref<250x80xi32, #tpu.memory_space<vmem>> -> memref<1x80xi32, #tpu.memory_space<vmem>>
    %dma_wait3A_193 = tpu.memref_squeeze %dma_wait3A_192 : memref<1x80xi32, #tpu.memory_space<vmem>> -> memref<80xi32, #tpu.memory_space<vmem>>
    %dma_wait3A_194 = arith.constant 0 : i32
    %dma_wait3A_195 = arith.constant 0 : i32
    %dma_wait3A_196 = tpu.memref_slice %arg2[%dma_wait3A_194, %dma_wait3A_195] : memref<10000x64xf32, #tpu.memory_space<hbm>> -> memref<10000x64xf32, #tpu.memory_space<hbm>>
    tpu.wait_indirect_dma semaphore(%arg18 : memref<!tpu.dma_semaphore, #tpu.memory_space<semaphore_mem>>) src(%dma_wait3A_196 : memref<10000x64xf32, #tpu.memory_space<hbm>>) dst(%arg12 : memref<80x64xf32, #tpu.memory_space<vmem>>)
    %dma_start3A_197 = arith.constant 249 : i32
    %dma_start3A_198 = arith.constant 0 : i32
    %dma_start3A_199 = tpu.memref_slice %arg8[%dma_start3A_197, %dma_start3A_198] : memref<250x80xi32, #tpu.memory_space<vmem>> -> memref<1x80xi32, #tpu.memory_space<vmem>>
    %dma_start3A_200 = tpu.memref_squeeze %dma_start3A_199 : memref<1x80xi32, #tpu.memory_space<vmem>> -> memref<80xi32, #tpu.memory_space<vmem>>
    %dma_start3A_201 = arith.constant 0 : i32
    %dma_start3A_202 = arith.constant 0 : i32
    %dma_start3A_203 = tpu.memref_slice %arg21[%dma_start3A_201, %dma_start3A_202] : memref<10240x64xf32, #tpu.memory_space<vmem_shared>> -> memref<10240x64xf32, #tpu.memory_space<vmem_shared>>
    tpu.enqueue_indirect_dma source(%arg12 : memref<80x64xf32, #tpu.memory_space<vmem>>) target(%dma_start3A_203 : memref<10240x64xf32, #tpu.memory_space<vmem_shared>>) offsets(%dma_start3A_200 : memref<80xi32, #tpu.memory_space<vmem>>) semaphore(%arg18 : memref<!tpu.dma_semaphore, #tpu.memory_space<semaphore_mem>>) {add = true}
    %dma_wait3A_204 = arith.constant 0 : i32
    %dma_wait3A_205 = arith.constant 0 : i32
    %dma_wait3A_206 = tpu.memref_slice %arg7[%dma_wait3A_204, %dma_wait3A_205] : memref<250x80xi32, #tpu.memory_space<vmem>> -> memref<1x80xi32, #tpu.memory_space<vmem>>
    %dma_wait3A_207 = tpu.memref_squeeze %dma_wait3A_206 : memref<1x80xi32, #tpu.memory_space<vmem>> -> memref<80xi32, #tpu.memory_space<vmem>>
    %dma_wait3A_208 = arith.constant 0 : i32
    %dma_wait3A_209 = arith.constant 0 : i32
    %dma_wait3A_210 = tpu.memref_slice %arg2[%dma_wait3A_208, %dma_wait3A_209] : memref<10000x64xf32, #tpu.memory_space<hbm>> -> memref<10000x64xf32, #tpu.memory_space<hbm>>
    tpu.wait_indirect_dma semaphore(%arg18 : memref<!tpu.dma_semaphore, #tpu.memory_space<semaphore_mem>>) src(%dma_wait3A_210 : memref<10000x64xf32, #tpu.memory_space<hbm>>) dst(%arg12 : memref<80x64xf32, #tpu.memory_space<vmem>>)
    %barrier3A_211 = arith.constant 0 : index
    tpu.barrier barrier_id(%barrier3A_211)
    %mul3A_212 = arith.constant 640 : i32
    %mul3A_213 = arith.muli %arg1, %mul3A_212 : i32
    %add3A_214 = arith.constant 0 : i32
    %add3A_215 = arith.addi %mul3A_213, %add3A_214 : i32
    "tpu.region"() ({
      %run_scoped3A = tpu.sem_alloc : memref<!tpu.dma_semaphore, #tpu.memory_space<semaphore_mem>>
      %dma_start3A_220 = arith.constant 0 : i32
      %dma_start3A_221 = tpu.memref_slice %arg6[%arg0, %add3A_215, %dma_start3A_220] : memref<2x10240x64xf32, #tpu.memory_space<hbm>> -> memref<1x320x64xf32, #tpu.memory_space<hbm>>
      %dma_start3A_222 = tpu.memref_squeeze %dma_start3A_221 : memref<1x320x64xf32, #tpu.memory_space<hbm>> -> memref<320x64xf32, #tpu.memory_space<hbm>>
      %dma_start3A_223 = arith.constant 0 : i32
      %dma_start3A_224 = tpu.memref_slice %arg21[%add3A_215, %dma_start3A_223] : memref<10240x64xf32, #tpu.memory_space<vmem_shared>> -> memref<320x64xf32, #tpu.memory_space<vmem_shared>>
      tpu.enqueue_dma source(%dma_start3A_224 : memref<320x64xf32, #tpu.memory_space<vmem_shared>>) target(%dma_start3A_222 : memref<320x64xf32, #tpu.memory_space<hbm>>) target_semaphore(%run_scoped3A : memref<!tpu.dma_semaphore, #tpu.memory_space<semaphore_mem>>)
      %dma_wait3A_225 = arith.constant 0 : i32
      %dma_wait3A_226 = tpu.memref_slice %arg6[%arg0, %add3A_215, %dma_wait3A_225] : memref<2x10240x64xf32, #tpu.memory_space<hbm>> -> memref<1x320x64xf32, #tpu.memory_space<hbm>>
      %dma_wait3A_227 = tpu.memref_squeeze %dma_wait3A_226 : memref<1x320x64xf32, #tpu.memory_space<hbm>> -> memref<320x64xf32, #tpu.memory_space<hbm>>
      %dma_wait3A_228 = arith.constant 0 : i32
      %dma_wait3A_229 = tpu.memref_slice %arg21[%add3A_215, %dma_wait3A_228] : memref<10240x64xf32, #tpu.memory_space<vmem_shared>> -> memref<320x64xf32, #tpu.memory_space<vmem_shared>>
      tpu.wait_dma2 semaphore(%run_scoped3A : memref<!tpu.dma_semaphore, #tpu.memory_space<semaphore_mem>>) src(%dma_wait3A_229 : memref<320x64xf32, #tpu.memory_space<vmem_shared>>) dst(%dma_wait3A_227 : memref<320x64xf32, #tpu.memory_space<hbm>>)
      tpu.yield
    }) : () -> ()
    %mul3A_216 = arith.constant 640 : i32
    %mul3A_217 = arith.muli %arg1, %mul3A_216 : i32
    %add3A_218 = arith.constant 320 : i32
    %add3A_219 = arith.addi %mul3A_217, %add3A_218 : i32
    "tpu.region"() ({
      %run_scoped3A = tpu.sem_alloc : memref<!tpu.dma_semaphore, #tpu.memory_space<semaphore_mem>>
      %dma_start3A_220 = arith.constant 0 : i32
      %dma_start3A_221 = tpu.memref_slice %arg6[%arg0, %add3A_219, %dma_start3A_220] : memref<2x10240x64xf32, #tpu.memory_space<hbm>> -> memref<1x320x64xf32, #tpu.memory_space<hbm>>
      %dma_start3A_222 = tpu.memref_squeeze %dma_start3A_221 : memref<1x320x64xf32, #tpu.memory_space<hbm>> -> memref<320x64xf32, #tpu.memory_space<hbm>>
      %dma_start3A_223 = arith.constant 0 : i32
      %dma_start3A_224 = tpu.memref_slice %arg21[%add3A_219, %dma_start3A_223] : memref<10240x64xf32, #tpu.memory_space<vmem_shared>> -> memref<320x64xf32, #tpu.memory_space<vmem_shared>>
      tpu.enqueue_dma source(%dma_start3A_224 : memref<320x64xf32, #tpu.memory_space<vmem_shared>>) target(%dma_start3A_222 : memref<320x64xf32, #tpu.memory_space<hbm>>) target_semaphore(%run_scoped3A : memref<!tpu.dma_semaphore, #tpu.memory_space<semaphore_mem>>)
      %dma_wait3A_225 = arith.constant 0 : i32
      %dma_wait3A_226 = tpu.memref_slice %arg6[%arg0, %add3A_219, %dma_wait3A_225] : memref<2x10240x64xf32, #tpu.memory_space<hbm>> -> memref<1x320x64xf32, #tpu.memory_space<hbm>>
      %dma_wait3A_227 = tpu.memref_squeeze %dma_wait3A_226 : memref<1x320x64xf32, #tpu.memory_space<hbm>> -> memref<320x64xf32, #tpu.memory_space<hbm>>
      %dma_wait3A_228 = arith.constant 0 : i32
      %dma_wait3A_229 = tpu.memref_slice %arg21[%add3A_219, %dma_wait3A_228] : memref<10240x64xf32, #tpu.memory_space<vmem_shared>> -> memref<320x64xf32, #tpu.memory_space<vmem_shared>>
      tpu.wait_dma2 semaphore(%run_scoped3A : memref<!tpu.dma_semaphore, #tpu.memory_space<semaphore_mem>>) src(%dma_wait3A_229 : memref<320x64xf32, #tpu.memory_space<vmem_shared>>) dst(%dma_wait3A_227 : memref<320x64xf32, #tpu.memory_space<hbm>>)
      tpu.yield
    }) : () -> ()
    return
  }
}

</mosaic_0001>

<sc_bundles>
// kernel: _sc_aggregate.3.cloned.1.call-start
scs
__scs_entry_jumppad:
0x0: {  	(pc) =	sbr.rel $0x88, $3  }
0x1: {  	(tag) =	ssettag $0x0;
	lr =	simm.s32 $0x1  }
0x2: {  	[smem:$0x3F9D] =	sst lr;
	_ =	strace $0xD0000000  }
0x3: {  	_ = 	snop  }
0x4: {  	_ = 	snop  }
0x5: {  	_ = 	snop  }
0x6: {  	_ = 	snop  }
0x7: {  	_ = 	snop  }
__scs_overlays_trampoline_lowered:
0x8: {  	[smem:$0x3FAC] =	sst s0  }
0x9: {  	[smem:$0x3FAD] =	sst s1  }
0xa: {  	[smem:$0x3FAE] =	sst s2  }
0xb: {  	[smem:$0x3FAF] =	sst s3  }
0xc: {  	[smem:$0x3FB0] =	sst s4  }
0xd: {  	[smem:$0x3FB1] =	sst s5  }
0xe: {  	[smem:$0x3FB2] =	sst s6  }
0xf: {  	[smem:$0x3FB3] =	sst s7  }
0x10: {  	[smem:$0x3FB4] =	sst s8  }
0x11: {  	[smem:$0x3FB5] =	sst s9;
	s0 =	simm.s32 @!p0 $0x0  }
0x12: {  	s1 =	sld [smem:$0x3F9B];
	s0 =	simm.s32 @p0 $0x1  }
0x13: {  	[smem:$0x3FB6] =	sst s0;
	s0 =	simm.s32 @!p1 $0x0  }
0x14: {  	s2 =	sld [smem:$0x3F9A];
	s0 =	simm.s32 @p1 $0x1  }
0x15: {  	[smem:$0x3FB7] =	sst s0;
	s0 =	simm.s32 @!p2 $0x0  }
0x16: {  	s3 =	sld [smem:$0x3FDB];
	s0 =	simm.s32 @p2 $0x1  }
0x17: {  	s4 =	simm.s32 $0x1BF5;
	[smem:$0x3FB9] =	sst s0  }
0x18: {  	s0 =	sld [smem:$0x3F9C];
	_ =	swait.ge [sflag:s4], $0x0  }
0x19: {  	s7 =	sld [smem:$0x3F9D]  }
0x1a: {  	s8 =	sadd.s32 $0xFFFFE003, lr  }
0x1b: {  	s9 =	sadd.s32 $0xFFFFFEF7, lr;
	s5 =	simm.s32 $0xFFFFFFFF;
	p2 =	slt.u32 s8, $0xFFFFF086  }
0x1c: {  	p1 =	slt.u32 s9, $0xF7A;
	s5 =	simm.s32 @!p2 $0x0  }
0x1d: {  	s5 =	simm.s32 @p1 $0x1;
	p0 =	seq.s32 s7, s2  }
0x1e: {  	s7 =	smul.u32 @!p0 $0xF7A, s2;
	p2 =	seq.s32 @!p0 s5, $0x0  }
0x1f: {  	s9 =	smul.u32 $0xF7A, s1;
	s8 =	simm.s32 @!p0 $0x1BF5;
	p2 =	por !p2, p0  }
0x20: {  	[sflag:s8] =	ssyncset.s32 @!p0 $0xFFFFF086;
	s6 =	sadd.s32 @!p0 s3, s7;
	s7 =	simm.s32 @!p0 $0x108  }
0x21: {  	s3 =	sadd.s32 s3, s9;
	s6 =	sadd.s32 @!p0 $0x88, s6;
	s7 =	simm.s32 @p2 $0x1082  }
0x22: {  	[simem:s7], [sflag:s8] =	dma.local @!p0 [hbm:s6], $0xF7A  }
0x23: {  	s9 =	sor.u32 $0xD0000000, s2;
	s6 =	simm.s32 $0x108;
	_ =	swait.ge @!p0 [sflag:s8], $0x0  }
0x24: {  	s3 =	sadd.s32 $0x88, s3;
	s6 =	simm.s32 @!p1 $0x1082;
	[sflag:s4] =	ssyncset.s32 $0xFFFFF086  }
0x25: {  	[simem:s6], [sflag:s4] =	dma.local [hbm:s3], $0xF7A  }
0x26: {  	[smem:$0x3F9D] =	sst s1;
	(tag) =	ssettag s2;
	_ =	strace s9  }
0x27: {  	s1 =	sld [smem:$0x3FAD]  }
0x28: {  	s2 =	sld [smem:$0x3FAE]  }
0x29: {  	s4 =	sld [smem:$0x3FB0]  }
0x2a: {  	p0 =	seq.s32 s5, $0x0;
	s5 =	sld [smem:$0x3FB1]  }
0x2b: {  	s6 =	sld [smem:$0x3FB2]  }
0x2c: {  	s7 =	sld [smem:$0x3FB3]  }
0x2d: {  	s3 =	simm.s32 $0x108;
	s8 =	sld [smem:$0x3FB4]  }
0x2e: {  	s3 =	simm.s32 @!p0 $0x1082;
	s9 =	sld [smem:$0x3FB5]  }
0x2f: {  	lr =	sadd.s32 s0, s3;
	s0 =	sld [smem:$0x3FAC]  }
0x30: {  	s3 =	sld [smem:$0x3FAF]  }
0x31: {  	[smem:$0x3FB8] =	sst s10  }
0x32: {  	s10 =	sld [smem:$0x3FB6];
	_ =	sdelay $0x3  }
0x33: {  	p0 =	seq.s32 s10, $0x1;
	s10 =	sld [smem:$0x3FB8];
	_ =	sdelay $0x3  }
0x34: {  	[smem:$0x3FB8] =	sst s10  }
0x35: {  	s10 =	sld [smem:$0x3FB7];
	_ =	sdelay $0x3  }
0x36: {  	p1 =	seq.s32 s10, $0x1;
	s10 =	sld [smem:$0x3FB8];
	_ =	sdelay $0x3  }
0x37: {  	[smem:$0x3FB8] =	sst s10  }
0x38: {  	s10 =	sld [smem:$0x3FB9]  }
0x39: {  	_ = 	snop;
	(pc) =	sbr.ind lr, $3  }
0x3a: {  	_ = 	snop  }
0x3b: {  	_ = 	snop  }
0x3c: {  	p2 =	seq.s32 s10, $0x1;
	s10 =	sld [smem:$0x3FB8]  }
0x3d: {  	_ =	shalt  }
0x3e: {  	_ =	shalt  }
0x3f: {  	_ =	shalt  }
0x40: {  	_ =	shalt  }
0x41: {  	_ =	shalt  }
0x42: {  	_ =	shalt  }
0x43: {  	_ =	shalt  }
0x44: {  	_ =	shalt  }
0x45: {  	_ =	shalt  }
0x46: {  	_ =	shalt  }
0x47: {  	_ =	shalt  }
0x48: {  	_ =	shalt  }
0x49: {  	_ =	shalt  }
0x4a: {  	_ =	shalt  }
0x4b: {  	_ =	shalt  }
0x4c: {  	_ =	shalt  }
0x4d: {  	_ =	shalt  }
0x4e: {  	_ =	shalt  }
0x4f: {  	_ =	shalt  }
0x50: {  	_ =	shalt  }
0x51: {  	_ =	shalt  }
0x52: {  	_ =	shalt  }
0x53: {  	_ =	shalt  }
0x54: {  	_ =	shalt  }
0x55: {  	_ =	shalt  }
0x56: {  	_ =	shalt  }
0x57: {  	_ =	shalt  }
0x58: {  	_ =	shalt  }
0x59: {  	_ =	shalt  }
0x5a: {  	_ =	shalt  }
0x5b: {  	_ =	shalt  }
0x5c: {  	_ =	shalt  }
0x5d: {  	_ =	shalt  }
0x5e: {  	_ =	shalt  }
0x5f: {  	_ =	shalt  }
0x60: {  	_ =	shalt  }
0x61: {  	_ =	shalt  }
0x62: {  	_ =	shalt  }
0x63: {  	_ =	shalt  }
0x64: {  	_ =	shalt  }
0x65: {  	_ =	shalt  }
0x66: {  	_ =	shalt  }
0x67: {  	_ =	shalt  }
0x68: {  	_ =	shalt  }
0x69: {  	_ =	shalt  }
0x6a: {  	_ =	shalt  }
0x6b: {  	_ =	shalt  }
0x6c: {  	_ =	shalt  }
0x6d: {  	_ =	shalt  }
0x6e: {  	_ =	shalt  }
0x6f: {  	_ =	shalt  }
0x70: {  	_ =	shalt  }
0x71: {  	_ =	shalt  }
0x72: {  	_ =	shalt  }
0x73: {  	_ =	shalt  }
0x74: {  	_ =	shalt  }
0x75: {  	_ =	shalt  }
0x76: {  	_ =	shalt  }
0x77: {  	_ =	shalt  }
0x78: {  	_ =	shalt  }
0x79: {  	_ =	shalt  }
0x7a: {  	_ =	shalt  }
0x7b: {  	_ =	shalt  }
0x7c: {  	_ =	shalt  }
0x7d: {  	_ =	shalt  }
0x7e: {  	_ =	shalt  }
0x7f: {  	_ =	shalt  }
0x80: {  	_ =	shalt  }
0x81: {  	_ =	shalt  }
0x82: {  	_ =	shalt  }
0x83: {  	_ =	shalt  }
0x84: {  	_ =	shalt  }
0x85: {  	_ =	shalt  }
0x86: {  	_ =	shalt  }
0x87: {  	_ =	shalt  }
.Lfunc_end0:
.L_simem_size_0:
called_computation_lowered:
.L_overlay_start_0:
0x88: {  	s2 =	sld [smem:$0x3FD9]  }
0x89: {  	s3 =	sld [smem:$0x3FFE];
	_ =	sdelay $0x1  }
0x8a: {  	s1 =	srdreg.scid  }
0x8b: {  	s0 =	sand.u32 $0x1, s1  }
0x8c: {  	s17 =	sshll.u32 s0, $0xA;
	s2 =	sadd.s32 s3, s2  }
0x8d: {  	s2 =	sadd.s32 s2, s17  }
0x8e: {  	[smem:$0x3FC4] =	sst s2  }
0x8f: {  	_ = 	snop  }
0x90: {  	s2 =	sld [smem:$0x3FD0];
	(tm) =	ssettm $0x1  }
0x91: {  	s18 =	sld [smem:$0x3FFB];
	_ =	sdelay $0x3  }
0x92: {  	_ =	strace s18  }
0x93: {  	s3 =	sld [smem:$0x3FFC];
	_ =	sdelay $0x3  }
0x94: {  	_ =	strace s3  }
0x95: {  	s3 =	sld [smem:$0x3FFD];
	_ =	sdelay $0x3  }
0x96: {  	_ =	strace s3  }
0x97: {  	_ =	strace $0x8FFFFFFF  }
0x98: {  	s19 =	sld [smem:$0x3FDB];
	_ =	sdelay $0x1  }
0x99: {  	s4 =	simm.s32 $_scs_section_size  }
0x9a: {  	s5 =	simm.s32 $_size__tile_overlayer_lowered;
	s6 =	simm.s32 $_tile_overlayer_lowered  }
0x9b: {  	s22 =	simm.s32 $0x1BFF;
	s21 =	sshll.u32 s6, $0x1;
	s3 =	sadd.s32 s4, s19  }
0x9c: {  	s7 =	simm.s32 $0x0;
	s20 =	sshll.u32 s5, $0x1;
	s5 =	sadd.s32 s21, s3  }
0x9d: {  	[timem:s7], [sflag:s22] =	dma.local [hbm:s5], s20  }
0x9e: {  	_ =	swait.ge [sflag:s22], s20  }
0x9f: {  	s4 =	ssub.s32 $0x0, s20;
	[sflag:s22] =	ssyncset.done $0x0  }
0xa0: {  	[sflag:s22] =	ssyncadd.s32 s4;
	_ =	sdelay $0x1  }
0xa1: {  	s23 =	simm.s32 $0x1B8B  }
0xa2: {  	_ =	swait.ge [sflag:s23], $0x1  }
0xa3: {  	[sflag:s23] =	ssyncset.done $0x0  }
0xa4: {  	s25 =	simm.s32 $0x1B8E;
	s24 =	sld [smem:$0x3FFE];
	[sflag:s23] =	ssyncadd.s32 $0xFFFFFFFF  }
0xa5: {  	s26 =	simm.s32 $execute0_lowered;
	[smem:$0x3FD2] =	sst s25  }
0xa6: {  	s5 =	sshll.u32 s26, $0x1;
	_ =	strace $0x80000046;
	[dreg:$0x1] =	wrdreg $0xFFFFFFFF  }
0xa7: {  	s28 =	simm.s32 $_size_execute0_lowered;
	s3 =	sadd.s32 s3, s5;
	[dreg:$0x0] =	wrdreg $0x0  }
0xa8: {  	s5 =	sshll.u32 s28, $0x1;
	[dreg:$0x2] =	wrdreg s3  }
0xa9: {  	[dreg:$0x3] =	wrdreg s5  }
0xaa: {  	[dreg:$0x4] =	wrdreg $0xC0  }
0xab: {  	_ =	task [dreg:s7], $0x5FFFF  }
0xac: {  	[dreg:$0x1] =	wrdreg $0xFFFFFFFF  }
0xad: {  	[dreg:$0x0] =	wrdreg $0x60  }
0xae: {  	[dreg:$0x2] =	wrdreg s24  }
0xaf: {  	[dreg:$0x3] =	wrdreg s2  }
0xb0: {  	[dreg:$0x4] =	wrdreg $0x114400  }
0xb1: {  	[dreg:$0x5] =	wrdreg $0x9  }
0xb2: {  	_ =	task.clear_ibuf [dreg:s7], $0x6FFFF;
	_ =	strace $0x90000046  }
0xb3: {  	s29 =	simm.s32 $0x9;
	_ =	strace $0x80000048  }
0xb4: {  	_ =	swait.ge [sflag:s29], $0x1  }
0xb5: {  	[sflag:s29] =	ssyncadd.s32 $0xFFFFFFFF  }
0xb6: {  	_ =	strace $0x90000048  }
0xb7: {  	_ =	sfence  }
0xb8: {  	s30 =	sld [smem:$0x0];
	_ =	sdelay $0x2  }
0xb9: {  	s31 =	sshll.u32 s1, $0xD;
	s1 =	sshrl.u32 s1, $0x2  }
0xba: {  	s3 =	sand.u32 $0x4000, s31;
	s1 =	sadd.s32 s1, s30  }
0xbb: {  	s0 =	sor.u32 s3, s0;
	s1 =	sshll.u32 s1, $0x11  }
0xbc: {  	s0 =	sor.u32 s1, s0  }
0xbd: {  	s0 =	sadd.s32 $0x8F2B, s0  }
0xbe: {  	[sflag:s0] =	ssyncadd.remote.s32 $0x1  }
0xbf: {  	_ =	sfence.sel $0xFFFF  }
0xc0: {  	[dreg:$0x0] =	wrdreg $0xFFFFFFFF;
	(pc) =	sbr.abs _section_cstart, $3  }
0xc1: {  	[dreg:$0x1] =	wrdreg $0xFFFFFFFF  }
0xc2: {  	_ =	task.clear_ibuf [dreg:s7], $0x2FFFF;
	_ =	strace $0x9FFFFFFF  }
0xc3: {  	(tm) =	ssettm $0x7FFFFFFF  }
tec
execute0_lowered:
.L_overlay_start_1:
0x0: {  	(tag) =	ssettag $0x1  }
0x1: {  	s0 =	rddreg [dreg:$0x0]  }
0x2: {  	s1 =	rddreg [dreg:$0x1]  }
0x3: {  	s2 =	rddreg [dreg:$0x2];
	s4 =	simm.s32 $0x0  }
0x4: {  	s8 =	stileid.u32;
	s3 =	srdreg.scid;
	s17 =	simm.s32 $0x14600  }
0x5: {  	s19 =	simm.s32 $0x9C40;
	s20 =	simm.s32 $0x8;
	s28 =	simm.s32 $0xD840  }
0x6: {  	s30 =	simm.s32 $0xEC40;
	s18 =	simm.s32 $0x2;
	s21 =	smul.u32 $0x9C4, s8  }
0x7: {  	s29 =	simm.s32 $0x5;
	s31 =	simm.s32 $0x6;
	s6 =	smul.u32 $0x28000, s8  }
0x8: {  	[smem:$0x7FF] =	sst s4;
	s3 =	sand.u32 $0x1, s3;
	s14 =	smul.u32 $0xA000, s8  }
0x9: {  	_ =	strace $0x80000047;
	s5 =	ssub.s32 $0x2, s3;
	s16 =	smul.u32 $0xA0000, s3  }
0xa: {  	p0 =	seq.s32 s3, $0x0;
	s4 =	sadd.s32 s21, s0;
	s7 =	sshrl.u32 s5, $0x1  }
0xb: {  	s23 =	sshrl.u32 s6, $0x2;
	s6 =	sadd.s32 s14, s2;
	s15 =	sadd.s32 $0x5000, s14  }
0xc: {  	s17 =	simm.s32 @!p0 $0x28000;
	s21 =	simm.s32 $0x7;
	s5 =	ssub.s32 s5, s7  }
0xd: {  	s22 =	sadd.s32 $0xA00, s4;
	s4 =	sadd.s32 $0xA800, s4;
	s24 =	sadd.s32 s23, s2  }
0xe: {  	s10 =	sadd.s32 s15, s2;
	s25 =	sadd.s32 s14, s16;
	s26 =	sadd.s32 s16, s15  }
0xf: {  	s17 =	sadd.s32 s17, s0;
	s23 =	simm.s32 $0xB040;
	[dreg:$0x4] =	wrdreg s22  }
0x10: {  	s0 =	simm.s32 $0x10040;
	[dreg:$0x5] =	wrdreg s4;
	s7 =	sadd.s32 $0x1400, s24  }
0x11: {  	s8 =	sadd.s32 $0x2800, s24;
	s9 =	sadd.s32 $0x3C00, s24;
	s11 =	sadd.s32 $0x6400, s24  }
.Ltmp0:
0x12: {  	s12 =	sadd.s32 $0x7800, s24;
	s13 =	sadd.s32 $0x8C00, s24;
	(pc) =	sbr.rel .LBB2_1-.Ltmp0, $4  }
0x13: {  	s3 =	sshrl.u32 s25, $0x3;
	s4 =	sshrl.u32 s26, $0x3;
	s16 =	smax.u32 s5, $0x1  }
0x14: {  	s22 =	simm.s32 $0x50;
	s25 =	simm.s32 $0xC440;
	s24 =	simm.s32 $0x3  }
0x15: {  	s26 =	simm.s32 $0x4;
	[dreg:$0x6] =	wrdreg s7;
	s14 =	sadd.s32 s1, s3  }
0x16: {  	v0 =	vimm.f32 $0.0e+00;
	s15 =	sadd.s32 s1, s4;
	s1 =	simm.s32 $0x1;
	s3 =	simm.s32 $0x0  }
.LBB2_6:
0x17: {  	_ =	swait.ge [sflag:s31], $0x1400  }
0x18: {  	[sflag:s31] =	ssyncset.done $0x0  }
0x19: {  	[sflag:s31] =	ssyncadd.s32 $0xFFFFEC00  }
0x1a: {  	_ =	swait.ge [sflag:s1], $0x1400  }
0x1b: {  	[sflag:s1] =	ssyncset.done $0x0  }
0x1c: {  	s4 =	simm.s32 $0x9B00;
	[sflag:s1] =	ssyncadd.s32 $0xFFFFEC00  }
0x1d: {  	[spmem:s2] =	stream.indirect.scatter.add.f32 [tilespmem:s19], [sflag:$0x1], $0x40, s4, s22, $0xb8;
	[tilespmem:$0x1B440] =	vst v63  }
0x1e: {  	_ =	swait.ge [sflag:s1], $0x1400  }
0x1f: {  	[sflag:s1] =	ssyncset.done $0x0  }
0x20: {  	[sflag:s1] =	ssyncadd.s32 $0xFFFFEC00  }
0x21: {  	_ =	swait.ge [sflag:s18], $0x1400  }
0x22: {  	[sflag:s18] =	ssyncset.done $0x0  }
0x23: {  	s7 =	simm.s32 $0x9B50;
	[sflag:s18] =	ssyncadd.s32 $0xFFFFEC00  }
0x24: {  	[spmem:s2] =	stream.indirect.scatter.add.f32 [tilespmem:s23], [sflag:$0x2], $0x40, s7, s22, $0xb8;
	[tilespmem:$0x1B440] =	vst v63  }
0x25: {  	_ =	swait.ge [sflag:s18], $0x1400  }
0x26: {  	[sflag:s18] =	ssyncset.done $0x0  }
0x27: {  	[sflag:s18] =	ssyncadd.s32 $0xFFFFEC00  }
0x28: {  	_ =	swait.ge [sflag:s24], $0x1400  }
0x29: {  	[sflag:s24] =	ssyncset.done $0x0  }
0x2a: {  	s5 =	simm.s32 $0x9BA0;
	[sflag:s24] =	ssyncadd.s32 $0xFFFFEC00  }
0x2b: {  	[spmem:s2] =	stream.indirect.scatter.add.f32 [tilespmem:s25], [sflag:$0x3], $0x40, s5, s22, $0xb8;
	[tilespmem:$0x1B440] =	vst v63  }
0x2c: {  	_ =	swait.ge [sflag:s24], $0x1400  }
0x2d: {  	[sflag:s24] =	ssyncset.done $0x0  }
0x2e: {  	[sflag:s24] =	ssyncadd.s32 $0xFFFFEC00  }
0x2f: {  	_ =	swait.ge [sflag:s26], $0x1400  }
0x30: {  	[sflag:s26] =	ssyncset.done $0x0  }
0x31: {  	s7 =	simm.s32 $0x9BF0;
	[sflag:s26] =	ssyncadd.s32 $0xFFFFEC00  }
0x32: {  	[spmem:s2] =	stream.indirect.scatter.add.f32 [tilespmem:s28], [sflag:$0x4], $0x40, s7, s22, $0xb8;
	[tilespmem:$0x1B440] =	vst v63  }
0x33: {  	_ =	swait.ge [sflag:s26], $0x1400  }
0x34: {  	s5 =	stileid.u32;
	[sflag:s26] =	ssyncset.done $0x0  }
0x35: {  	s4 =	sshll.u32 s5, $0x6;
	[sflag:s26] =	ssyncadd.s32 $0xFFFFEC00  }
0x36: {  	s5 =	sshrl.u32 s6, $0x3;
	s4 =	sor.u32 $0x1C08, s4;
	[bflag:$0x0] =	sbarrier.arrive $0xFFFF  }
0x37: {  	[hbm:s14], [sflag:s4] =	dma.local [spmem:s5], $0xA00  }
0x38: {  	s3 =	sadd.s32 $0x1, s3;
	_ =	swait.ge [sflag:s20], $0xA00  }
0x39: {  	p0 =	sne.s32 s3, s16;
	[sflag:s20] =	ssyncset.done $0x0  }
.Ltmp1:
0x3a: {  	s7 =	sshrl.u32 s10, $0x3;
	[sflag:s20] =	ssyncadd.s32 $0xFFFFF600;
	(pc) =	sbr.rel @!p0 .LBB2_7-.Ltmp1, $4  }
0x3b: {  	[hbm:s15], [sflag:s4] =	dma.local [spmem:s7], $0xA00  }
0x3c: {  	_ =	swait.ge [sflag:s20], $0xA00  }
0x3d: {  	[sflag:s20] =	ssyncset.done $0x0  }
0x3e: {  	[sflag:s20] =	ssyncadd.s32 $0xFFFFF600  }
.LBB2_1:
0x3f: {  	s4 =	simm.s32 $0x0;
	s5 =	rddreg [dreg:$0x4]  }
0x40: {  	[tilespmem:s4], [sflag:$0x7] =	stream.linear.gather [hbm4b:s5+s4], $0x4E20, $0x38;
	[tilespmem:$0x1B440] =	vst v63  }
0x41: {  	s7 =	simm.s32 $0x4E20;
	s5 =	rddreg [dreg:$0x5]  }
0x42: {  	[tilespmem:s7], [sflag:$0x7] =	stream.linear.gather [hbm4b:s5+s4], $0x4E20, $0x38;
	[tilespmem:$0x1B440] =	vst v63  }
0x43: {  	s5 =	simm.s32 $0x100;
	s4 =	simm.s32 $0x0  }
.LBB2_2:
0x44: {  	p0 =	sne.s32 s5, $0x4F00;
	[tilespmem:s4+$0x9C70] =	vst v0;
	s7 =	smov.u32 s5;
	s5 =	sadd.s32 $0x100, s5  }
.Ltmp2:
0x45: {  	[tilespmem:s4+$0x9C60] =	vst v0;
	(pc) =	sbr.rel @p0 .LBB2_2-.Ltmp2, $3  }
0x46: {  	[tilespmem:s4+$0x9C40] =	vst v0  }
0x47: {  	[tilespmem:s4+$0x9C50] =	vst v0;
	_ =	sdelay $0x1  }
0x48: {  	s4 =	sshra.s32 s7, $0x2  }
0x49: {  	[tilespmem:s4+$0x9C70] =	vst v0  }
0x4a: {  	[tilespmem:s4+$0x9C60] =	vst v0  }
0x4b: {  	[tilespmem:s4+$0x9C40] =	vst v0  }
0x4c: {  	[tilespmem:s4+$0x9C50] =	vst v0  }
0x4d: {  	[spmem:s6] =	stream.linear.scatter [tilespmem:s19], [sflag:$0x8], $0x1400, $0x38;
	[tilespmem:$0x1B440] =	vst v63  }
0x4e: {  	_ =	swait.ge [sflag:s20], $0x1400  }
0x4f: {  	[sflag:s20] =	ssyncset.done $0x0  }
0x50: {  	s5 =	rddreg [dreg:$0x6];
	[sflag:s20] =	ssyncadd.s32 $0xFFFFEC00  }
0x51: {  	[spmem:s5] =	stream.linear.scatter [tilespmem:s19], [sflag:$0x8], $0x1400, $0x38;
	[tilespmem:$0x1B440] =	vst v63  }
0x52: {  	_ =	swait.ge [sflag:s20], $0x1400  }
0x53: {  	[sflag:s20] =	ssyncset.done $0x0  }
0x54: {  	[sflag:s20] =	ssyncadd.s32 $0xFFFFEC00  }
0x55: {  	[spmem:s8] =	stream.linear.scatter [tilespmem:s19], [sflag:$0x8], $0x1400, $0x38;
	[tilespmem:$0x1B440] =	vst v63  }
0x56: {  	_ =	swait.ge [sflag:s20], $0x1400  }
0x57: {  	[sflag:s20] =	ssyncset.done $0x0  }
0x58: {  	[sflag:s20] =	ssyncadd.s32 $0xFFFFEC00  }
0x59: {  	[spmem:s9] =	stream.linear.scatter [tilespmem:s19], [sflag:$0x8], $0x1400, $0x38;
	[tilespmem:$0x1B440] =	vst v63  }
0x5a: {  	_ =	swait.ge [sflag:s20], $0x1400  }
0x5b: {  	[sflag:s20] =	ssyncset.done $0x0  }
0x5c: {  	[sflag:s20] =	ssyncadd.s32 $0xFFFFEC00  }
0x5d: {  	[spmem:s10] =	stream.linear.scatter [tilespmem:s19], [sflag:$0x8], $0x1400, $0x38;
	[tilespmem:$0x1B440] =	vst v63  }
0x5e: {  	_ =	swait.ge [sflag:s20], $0x1400  }
0x5f: {  	[sflag:s20] =	ssyncset.done $0x0  }
0x60: {  	[sflag:s20] =	ssyncadd.s32 $0xFFFFEC00  }
0x61: {  	[spmem:s11] =	stream.linear.scatter [tilespmem:s19], [sflag:$0x8], $0x1400, $0x38;
	[tilespmem:$0x1B440] =	vst v63  }
0x62: {  	_ =	swait.ge [sflag:s20], $0x1400  }
0x63: {  	[sflag:s20] =	ssyncset.done $0x0  }
0x64: {  	[sflag:s20] =	ssyncadd.s32 $0xFFFFEC00  }
0x65: {  	[spmem:s12] =	stream.linear.scatter [tilespmem:s19], [sflag:$0x8], $0x1400, $0x38;
	[tilespmem:$0x1B440] =	vst v63  }
0x66: {  	_ =	swait.ge [sflag:s20], $0x1400  }
0x67: {  	[sflag:s20] =	ssyncset.done $0x0  }
0x68: {  	[sflag:s20] =	ssyncadd.s32 $0xFFFFEC00  }
0x69: {  	[spmem:s13] =	stream.linear.scatter [tilespmem:s19], [sflag:$0x8], $0x1400, $0x38;
	[tilespmem:$0x1B440] =	vst v63  }
0x6a: {  	_ =	swait.ge [sflag:s20], $0x1400  }
0x6b: {  	[sflag:s20] =	ssyncset.done $0x0  }
0x6c: {  	[sflag:s20] =	ssyncadd.s32 $0xFFFFEC00  }
0x6d: {  	_ =	swait.ge [sflag:s21], $0x4E20  }
0x6e: {  	[sflag:s21] =	ssyncset.done $0x0  }
0x6f: {  	[sflag:s21] =	ssyncadd.s32 $0xFFFFB1E0  }
0x70: {  	_ =	swait.ge [sflag:s21], $0x4E20  }
0x71: {  	[sflag:s21] =	ssyncset.done $0x0  }
0x72: {  	[sflag:s21] =	ssyncadd.s32 $0xFFFFB1E0  }
0x73: {  	s4 =	simm.s32 $0x0;
	[bflag:$0x0] =	sbarrier.arrive $0xFFFF  }
0x74: {  	[tilespmem:s19], [sflag:$0x1] =	stream.indirect.gather [hbm4b:s17+s22], $0x40, s4, s22, $0xb8;
	[tilespmem:$0x1B440] =	vst v63  }
0x75: {  	_ = 	snop  }
0x76: {  	[tilespmem:s23], [sflag:$0x2] =	stream.indirect.gather [hbm4b:s17+s22], $0x40, s22, s22, $0xb8;
	[tilespmem:$0x1B440] =	vst v63  }
0x77: {  	s5 =	simm.s32 $0xA0  }
0x78: {  	[tilespmem:s25], [sflag:$0x3] =	stream.indirect.gather [hbm4b:s17+s22], $0x40, s5, s22, $0xb8;
	[tilespmem:$0x1B440] =	vst v63  }
0x79: {  	s7 =	simm.s32 $0xF0  }
0x7a: {  	[tilespmem:s28], [sflag:$0x4] =	stream.indirect.gather [hbm4b:s17+s22], $0x40, s7, s22, $0xb8;
	[tilespmem:$0x1B440] =	vst v63  }
0x7b: {  	s7 =	simm.s32 $0x140  }
0x7c: {  	[tilespmem:s30], [sflag:$0x5] =	stream.indirect.gather [hbm4b:s17+s22], $0x40, s7, s22, $0xb8;
	[tilespmem:$0x1B440] =	vst v63  }
0x7d: {  	s7 =	simm.s32 $0x190  }
0x7e: {  	[tilespmem:s0], [sflag:$0x6] =	stream.indirect.gather [hbm4b:s17+s22], $0x40, s7, s22, $0xb8;
	[tilespmem:$0x1B440] =	vst v63  }
.LBB2_4:
0x7f: {  	_ =	swait.ge [sflag:s1], $0x1400  }
0x80: {  	s5 =	sshra.s32 s4, $0x2;
	[sflag:s1] =	ssyncset.done $0x0  }
0x81: {  	s7 =	sadd.s32 $0x4E20, s5;
	[sflag:s1] =	ssyncadd.s32 $0xFFFFEC00  }
0x82: {  	[spmem:s2] =	stream.indirect.scatter.add.f32 [tilespmem:s19], [sflag:$0x1], $0x40, s7, s22, $0xb8;
	[tilespmem:$0x1B440] =	vst v63  }
0x83: {  	_ =	swait.ge [sflag:s18], $0x1400  }
0x84: {  	[sflag:s18] =	ssyncset.done $0x0  }
0x85: {  	s7 =	sadd.s32 $0x4E70, s5;
	[sflag:s18] =	ssyncadd.s32 $0xFFFFEC00  }
0x86: {  	[spmem:s2] =	stream.indirect.scatter.add.f32 [tilespmem:s23], [sflag:$0x2], $0x40, s7, s22, $0xb8;
	[tilespmem:$0x1B440] =	vst v63  }
0x87: {  	_ =	swait.ge [sflag:s24], $0x1400  }
0x88: {  	[sflag:s24] =	ssyncset.done $0x0  }
0x89: {  	s7 =	sadd.s32 $0x4EC0, s5;
	[sflag:s24] =	ssyncadd.s32 $0xFFFFEC00  }
0x8a: {  	[spmem:s2] =	stream.indirect.scatter.add.f32 [tilespmem:s25], [sflag:$0x3], $0x40, s7, s22, $0xb8;
	[tilespmem:$0x1B440] =	vst v63  }
0x8b: {  	_ =	swait.ge [sflag:s26], $0x1400  }
0x8c: {  	[sflag:s26] =	ssyncset.done $0x0  }
0x8d: {  	s7 =	sadd.s32 $0x4F10, s5;
	[sflag:s26] =	ssyncadd.s32 $0xFFFFEC00  }
0x8e: {  	[spmem:s2] =	stream.indirect.scatter.add.f32 [tilespmem:s28], [sflag:$0x4], $0x40, s7, s22, $0xb8;
	[tilespmem:$0x1B440] =	vst v63  }
0x8f: {  	_ =	swait.ge [sflag:s29], $0x1400  }
0x90: {  	[sflag:s29] =	ssyncset.done $0x0  }
0x91: {  	s7 =	sadd.s32 $0x4F60, s5;
	[sflag:s29] =	ssyncadd.s32 $0xFFFFEC00  }
0x92: {  	[spmem:s2] =	stream.indirect.scatter.add.f32 [tilespmem:s30], [sflag:$0x5], $0x40, s7, s22, $0xb8;
	[tilespmem:$0x1B440] =	vst v63  }
0x93: {  	_ =	swait.ge [sflag:s31], $0x1400  }
0x94: {  	[sflag:s31] =	ssyncset.done $0x0  }
0x95: {  	s7 =	sadd.s32 $0x4FB0, s5;
	[sflag:s31] =	ssyncadd.s32 $0xFFFFEC00  }
0x96: {  	[spmem:s2] =	stream.indirect.scatter.add.f32 [tilespmem:s0], [sflag:$0x6], $0x40, s7, s22, $0xb8;
	[tilespmem:$0x1B440] =	vst v63  }
0x97: {  	_ =	swait.ge [sflag:s1], $0x1400  }
0x98: {  	[sflag:s1] =	ssyncset.done $0x0  }
0x99: {  	s7 =	sadd.s32 $0x1E0, s5;
	[sflag:s1] =	ssyncadd.s32 $0xFFFFEC00  }
0x9a: {  	[tilespmem:s19], [sflag:$0x1] =	stream.indirect.gather [hbm4b:s17+s22], $0x40, s7, s22, $0xb8;
	[tilespmem:$0x1B440] =	vst v63  }
0x9b: {  	_ =	swait.ge [sflag:s18], $0x1400  }
0x9c: {  	[sflag:s18] =	ssyncset.done $0x0  }
0x9d: {  	s7 =	sadd.s32 $0x230, s5;
	[sflag:s18] =	ssyncadd.s32 $0xFFFFEC00  }
0x9e: {  	[tilespmem:s23], [sflag:$0x2] =	stream.indirect.gather [hbm4b:s17+s22], $0x40, s7, s22, $0xb8;
	[tilespmem:$0x1B440] =	vst v63  }
0x9f: {  	_ =	swait.ge [sflag:s24], $0x1400  }
0xa0: {  	[sflag:s24] =	ssyncset.done $0x0  }
0xa1: {  	s7 =	sadd.s32 $0x280, s5;
	[sflag:s24] =	ssyncadd.s32 $0xFFFFEC00  }
0xa2: {  	[tilespmem:s25], [sflag:$0x3] =	stream.indirect.gather [hbm4b:s17+s22], $0x40, s7, s22, $0xb8;
	[tilespmem:$0x1B440] =	vst v63  }
0xa3: {  	_ =	swait.ge [sflag:s26], $0x1400  }
0xa4: {  	p0 =	seq.s32 s4, $0x12C00;
	[sflag:s26] =	ssyncset.done $0x0  }
.Ltmp3:
0xa5: {  	s7 =	sadd.s32 $0x2D0, s5;
	[sflag:s26] =	ssyncadd.s32 $0xFFFFEC00;
	(pc) =	sbr.rel @p0 .LBB2_6-.Ltmp3, $4  }
0xa6: {  	[tilespmem:s28], [sflag:$0x4] =	stream.indirect.gather [hbm4b:s17+s22], $0x40, s7, s22, $0xb8;
	[tilespmem:$0x1B440] =	vst v63  }
0xa7: {  	_ =	swait.ge [sflag:s29], $0x1400  }
0xa8: {  	[sflag:s29] =	ssyncset.done $0x0  }
0xa9: {  	[sflag:s29] =	ssyncadd.s32 $0xFFFFEC00  }
0xaa: {  	s7 =	sadd.s32 $0x320, s5  }
0xab: {  	[tilespmem:s30], [sflag:$0x5] =	stream.indirect.gather [hbm4b:s17+s22], $0x40, s7, s22, $0xb8;
	[tilespmem:$0x1B440] =	vst v63  }
.Ltmp4:
0xac: {  	_ = 	snop;
	(pc) =	sbr.rel .LBB2_4-.Ltmp4, $4  }
0xad: {  	_ =	swait.ge [sflag:s31], $0x1400  }
0xae: {  	[sflag:s31] =	ssyncset.done $0x0  }
0xaf: {  	s4 =	sadd.s32 $0x780, s4;
	s7 =	sadd.s32 $0x370, s5;
	[sflag:s31] =	ssyncadd.s32 $0xFFFFEC00  }
0xb0: {  	[tilespmem:s0], [sflag:$0x6] =	stream.indirect.gather [hbm4b:s17+s22], $0x40, s7, s22, $0xb8;
	[tilespmem:$0x1B440] =	vst v63  }
.LBB2_7:
0xb1: {  	_ =	sfence.sel $0x180000  }
0xb2: {  	[bflag:$0x0] =	sbarrier.arrive $0xFFFF  }
0xb3: {  	_ =	strace $0x90000047  }
0xb4: {  	s0 =	stileid.u32;
	[bflag:$0x2] =	sbarrier.arrive $0xFFFF  }
0xb5: {  	p0 =	sne.s32 s0, $0x0;
	s0 =	rddreg [dreg:$0x3]  }
0xb6: {  	s0 =	sadd.s32 @!p0 $0x100000, s0  }
0xb7: {  	[sflag:s0] =	ssyncadd.tile.s32 @!p0 $0x1;
	_ =	shalt  }
.Lfunc_end2:
_tile_overlayer_lowered:
.L_overlay_start_2:
0xb8: {  	(tag) =	ssettag $0x2  }
0xb9: {  	s0 =	rddreg [dreg:$0x0];
	s2 =	stileid.u32  }
0xba: {  	s1 =	rddreg [dreg:$0x1];
	p0 =	sne.s32 s2, $0x0  }
0xbb: {  	s3 =	rddreg [dreg:$0x2];
	[bflag:$0x3] =	sbarrier.arrive $0xFFFF;
	s2 =	simm.s32 @!p0 $0x1C08  }
0xbc: {  	[timem:s3], [sflag:s2] =	dma.local @!p0 [hbm:s0], s1  }
0xbd: {  	s0 =	simm.s32 @!p0 $0x8  }
0xbe: {  	_ =	swait.ge @!p0 [sflag:s0], s1  }
0xbf: {  	s1 =	ssub.s32 @!p0 $0x0, s1;
	[sflag:s0] =	ssyncset.done @!p0 $0x0  }
0xc0: {  	[sflag:s0] =	ssyncadd.s32 @!p0 s1  }
0xc1: {  	[bflag:$0x3] =	sbarrier.arrive $0xFFFF  }
0xc2: {  	_ =	shalt  }

</sc_bundles>
